<compile_context>
chip_gen: v7x
topology: tpu7x:2x2x1
jax: 0.10.2.dev20260603
libtpu: 0.0.44.dev20260713+nightly
codegen_flags: <defaults>
</compile_context>

<pallas_src>
import functools

import jax
import jax.numpy as jnp
from jax import lax
from jax.experimental import pallas as pl
from jax.experimental.pallas import tpu as pltpu
from jax.experimental.pallas import tpu_sc as plsc

N = 10000
NP = 10240
E = 320000
D = 128
H = 128

NC = 2
NS = 16
NW = NC * NS
KE = 10000
RB = 1024
EB = 2000


def _sc_gather_rows(table, idx_pad):
    bpw = NP // NW
    mesh = plsc.VectorSubcoreMesh(core_axis_name="c", subcore_axis_name="s")

    @functools.partial(
        pl.kernel,
        mesh=mesh,
        out_type=jax.ShapeDtypeStruct((NP, D), jnp.float32),
        scratch_types=[
            pltpu.VMEM((bpw,), jnp.int32),
            pltpu.VMEM((bpw, D), jnp.float32),
            pltpu.SemaphoreType.DMA,
        ],
    )
    def k(table_hbm, idx_hbm, out_hbm, idx_v, rows_v, sem):
        wid = lax.axis_index("s") * NC + lax.axis_index("c")
        base = wid * bpw
        pltpu.sync_copy(idx_hbm.at[pl.ds(base, bpw)], idx_v)
        copies = []
        for j in range(0, bpw, 80):
            copies.append(
                pltpu.async_copy(
                    table_hbm.at[idx_v.at[pl.ds(j, 80)]],
                    rows_v.at[pl.ds(j, 80)],
                    sem,
                )
            )
        for c in copies:
            c.wait()
        pltpu.sync_copy(rows_v, out_hbm.at[pl.ds(base, bpw)])

    return k(table, idx_pad)


def _sc_edge_aggregate(hmT, sd, ew):
    mesh = plsc.VectorSubcoreMesh(core_axis_name="c", subcore_axis_name="s")

    @functools.partial(
        pl.kernel,
        mesh=mesh,
        compiler_params=pltpu.CompilerParams(
            use_tc_tiling_on_sc=False, needs_layout_passes=False),
        out_type=jax.ShapeDtypeStruct((D + NW, NP), jnp.float32),
        scratch_types=[
            pltpu.VMEM((NP,), jnp.int32),
            pltpu.VMEM((NP,), jnp.int32),
            pltpu.VMEM((NP,), jnp.float32),
            pltpu.VMEM((NP,), jnp.float32),
            pltpu.VMEM((NP,), jnp.float32),
            pltpu.VMEM((NP,), jnp.float32),
            pltpu.VMEM((NP,), jnp.float32),
            pltpu.VMEM((2, KE), jnp.int32),
            pltpu.VMEM((2, KE), jnp.float32),
            pltpu.SemaphoreType.DMA,
            pltpu.SemaphoreType.DMA,
        ],
    )
    def k(hmT_hbm, sd_hbm, ew_hbm, out_hbm,
          c0, c1, a0, a1, a2, a3, ad, pv2, wv2, sem0, sem1):
        cols = (c0, c1)
        accs = (a0, a1, a2, a3)
        wid = lax.axis_index("s") * NC + lax.axis_index("c")
        zeros16 = jnp.broadcast_to((wid * 0).astype(jnp.float32), (16,))

        for r in range(2):
            pltpu.sync_copy(hmT_hbm.at[2 * wid + r], cols[r])

        @plsc.parallel_loop(0, NP, 16, unroll=4)
        def _(b):
            for r in range(4):
                accs[r][pl.ds(b, 16)] = zeros16
            ad[pl.ds(b, 16)] = zeros16

        sems = (sem0, sem1)

        def issue(ch, slot):
            off = ch * KE
            pltpu.async_copy(sd_hbm.at[pl.ds(off, KE)], pv2.at[slot], sems[slot])
            pltpu.async_copy(ew_hbm.at[pl.ds(off, KE)], wv2.at[slot], sems[slot])

        def drain(slot):
            pltpu.make_async_copy(sd_hbm.at[pl.ds(0, KE)], pv2.at[slot], sems[slot]).wait()
            pltpu.make_async_copy(ew_hbm.at[pl.ds(0, KE)], wv2.at[slot], sems[slot]).wait()

        def consume(slot):
            pv, wv = pv2.at[slot], wv2.at[slot]

            @plsc.parallel_loop(0, KE, 16, unroll=8)
            def _(b):
                p = pv[pl.ds(b, 16)]
                s = jnp.bitwise_and(p, 16383)
                d = jnp.right_shift(p, 14)
                w = wv[pl.ds(b, 16)]
                for q in range(2):
                    pk = plsc.load_gather(cols[q], [s])
                    lo = plsc.bitcast(jnp.left_shift(pk, 16), jnp.float32)
                    hi = plsc.bitcast(jnp.bitwise_and(pk, -65536), jnp.float32)
                    plsc.addupdate_scatter(accs[2 * q], [d], lo * w)
                    plsc.addupdate_scatter(accs[2 * q + 1], [d], hi * w)

        npairs = E // (2 * KE)
        issue(0, 0)

        def pair_body(g, _):
            issue(2 * g + 1, 1)
            drain(0)
            consume(0)

            @pl.when(g + 1 < npairs)
            def _():
                issue(2 * g + 2, 0)
            drain(1)
            consume(1)
            return 0
        lax.fori_loop(0, npairs, pair_body, 0)

        shard = E // NW
        pv0, wv0 = pv2.at[0], wv2.at[0]
        for coff, clen in ((0, 10000),):
            dc0 = pltpu.async_copy(sd_hbm.at[pl.ds(wid * shard + coff, clen)],
                                   pv0.at[pl.ds(0, clen)], sem0)
            dc1 = pltpu.async_copy(ew_hbm.at[pl.ds(wid * shard + coff, clen)],
                                   wv0.at[pl.ds(0, clen)], sem1)
            dc0.wait()
            dc1.wait()

            @plsc.parallel_loop(0, clen, 16, unroll=8)
            def _(b):
                d = jnp.right_shift(pv0[pl.ds(b, 16)], 14)
                plsc.addupdate_scatter(ad, [d], wv0[pl.ds(b, 16)])

        outs = [
            pltpu.async_copy(accs[0], out_hbm.at[2 * wid], sem0),
            pltpu.async_copy(accs[1], out_hbm.at[2 * wid + 64], sem0),
            pltpu.async_copy(accs[2], out_hbm.at[2 * wid + 1], sem0),
            pltpu.async_copy(accs[3], out_hbm.at[2 * wid + 65], sem0),
            pltpu.async_copy(ad, out_hbm.at[D + wid], sem0),
        ]
        for c in outs:
            c.wait()

    return k(hmT, sd, ew)


def _tc_embed_to_messages(x, data2d, W_in, W_msg, src2d, dst2d):
    def body(x_ref, d_ref, wi_ref, wm_ref, s_ref, t_ref, h_ref, hmT_ref, sd_ref):
        m = (d_ref[...] != 0).astype(jnp.float32)
        xb = x_ref[...] * m
        hb = jnp.tanh(jnp.dot(xb, wi_ref[...], preferred_element_type=jnp.float32))
        h_ref[...] = hb
        hm = jnp.dot(hb, wm_ref[...], preferred_element_type=jnp.float32)
        bits = lax.bitcast_convert_type(hm, jnp.int32)
        rne = jnp.right_shift(
            bits + 0x7FFF + jnp.bitwise_and(jnp.right_shift(bits, 16), 1), 16)
        lo = jnp.bitwise_and(rne[:, : H // 2], 0xFFFF)
        hi = jnp.left_shift(rne[:, H // 2 :], 16)
        hmT_ref[...] = jnp.bitwise_or(lo, hi).T
        sd_ref[...] = jnp.bitwise_or(s_ref[...], jnp.left_shift(t_ref[...], 14))

    eb = EB // (NP // RB)
    return pl.pallas_call(
        body,
        grid=(NP // RB,),
        in_specs=[
            pl.BlockSpec((RB, D), lambda j: (j, 0)),
            pl.BlockSpec((RB, 1), lambda j: (j, 0)),
            pl.BlockSpec((D, H), lambda j: (0, 0)),
            pl.BlockSpec((H, H), lambda j: (0, 0)),
            pl.BlockSpec((eb, 160), lambda j: (j, 0)),
            pl.BlockSpec((eb, 160), lambda j: (j, 0)),
        ],
        out_specs=[
            pl.BlockSpec((RB, H), lambda j: (j, 0)),
            pl.BlockSpec((H // 2, RB), lambda j: (0, j)),
            pl.BlockSpec((eb, 160), lambda j: (j, 0)),
        ],
        out_shape=[
            jax.ShapeDtypeStruct((NP, H), jnp.float32),
            jax.ShapeDtypeStruct((H // 2, NP), jnp.int32),
            jax.ShapeDtypeStruct((EB, 160), jnp.int32),
        ],
    )(x, data2d, W_in, W_msg, src2d, dst2d)


def _tc_update(aggT_ext, h, data2d, W_self, b2d):
    def body(a_ref, h_ref, d_ref, ws_ref, b_ref, out_ref, sum_ref, cnt_ref):
        j = pl.program_id(0)
        a = a_ref[...]
        deg = jnp.sum(a[D:, :], axis=0)
        agg = a[:D, :].T
        m = (d_ref[...] != 0).astype(jnp.float32)
        h2 = jnp.tanh(
            agg / (deg[:, None] + 1e-6)
            + jnp.dot(h_ref[...], ws_ref[...], preferred_element_type=jnp.float32)
            + b_ref[...]
        )
        out = h2 * m
        out_ref[...] = out
        ps = jnp.sum(out, axis=0, keepdims=True)
        pc = jnp.sum(m, keepdims=True).reshape(1, 1)

        @pl.when(j == 0)
        def _():
            sum_ref[...] = ps
            cnt_ref[...] = pc

        @pl.when(j != 0)
        def _():
            sum_ref[...] += ps
            cnt_ref[...] += pc

    return pl.pallas_call(
        body,
        grid=(NP // RB,),
        in_specs=[
            pl.BlockSpec((D + NW, RB), lambda j: (0, j)),
            pl.BlockSpec((RB, H), lambda j: (j, 0)),
            pl.BlockSpec((RB, 1), lambda j: (j, 0)),
            pl.BlockSpec((H, H), lambda j: (0, 0)),
            pl.BlockSpec((1, H), lambda j: (0, 0)),
        ],
        out_specs=[
            pl.BlockSpec((RB, H), lambda j: (j, 0)),
            pl.BlockSpec((1, H), lambda j: (0, 0)),
            pl.BlockSpec((1, 1), lambda j: (0, 0)),
        ],
        out_shape=[
            jax.ShapeDtypeStruct((N, H), jnp.float32),
            jax.ShapeDtypeStruct((1, H), jnp.float32),
            jax.ShapeDtypeStruct((1, 1), jnp.float32),
        ],
    )(aggT_ext, h, data2d, W_self, b2d)


def kernel(data, edge_index, edge_weight, embed, W_in, W_msg, W_self, b):
    data_pad = jnp.pad(data.astype(jnp.int32), (0, NP - N))
    data2d = data_pad.reshape(NP, 1)

    ei3 = edge_index.astype(jnp.int32).reshape(2, EB, 160)
    x = _sc_gather_rows(embed, data_pad)
    h, hmT, sd2d = _tc_embed_to_messages(x, data2d, W_in, W_msg, ei3[0], ei3[1])

    aggT_ext = _sc_edge_aggregate(hmT, sd2d.reshape(E), edge_weight)

    out, sum_vec, cnt = _tc_update(aggT_ext, h, data2d, W_self, b.reshape(1, H))

    denom = jnp.maximum(cnt[0, 0], 1.0)
    return (out, sum_vec[0] / denom)

# --- scband reference (transcript-rebuilt; emitter-appended) ---
"""Pipeline reference for scband-encoder-83786222010481 (READ-ONLY COPY).

The authoritative reference and input builder live on the scoring server;
editing this copy changes nothing except your own understanding.
"""

import jax, jax.numpy as jnp
import numpy as np

N = 10000   # nodes (tokens in flattened graph)
E = 320000  # edges
V = 32000   # vocab size (len(vocab))
D = 128     # n_embed
H = 128     # n_hidden
PAD = 0     # vocab.pad()


def setup_inputs(seed: int = 0) -> dict:
    key = jax.random.key(seed)
    ks = jax.random.split(key, 8)
    data = jax.random.randint(ks[0], (N,), 0, V)
    edge_index = jax.random.randint(ks[1], (2, E), 0, N)
    edge_weight = jax.random.uniform(ks[2], (E,), dtype=jnp.float32)
    # learned parameters (WeightedGNN internals: token embedding + message/self weights)
    embed = jax.random.normal(ks[3], (V, D), dtype=jnp.float32) * 0.02
    W_in = jax.random.normal(ks[4], (D, H), dtype=jnp.float32) * (1.0 / np.sqrt(D))
    W_msg = jax.random.normal(ks[5], (H, H), dtype=jnp.float32) * (1.0 / np.sqrt(H))
    W_self = jax.random.normal(ks[6], (H, H), dtype=jnp.float32) * (1.0 / np.sqrt(H))
    b = jnp.zeros((H,), dtype=jnp.float32)
    return {"data": data, "edge_index": edge_index, "edge_weight": edge_weight,
            "embed": embed, "W_in": W_in, "W_msg": W_msg, "W_self": W_self, "b": b}


def reference(data, edge_index, edge_weight, embed, W_in, W_msg, W_self, b):
    # Encoder.forward: final_state, (flattened_internal, ...) = self.gn(data)
    # WeightedGNN: embed tokens (masking pad), one round of weighted message
    # passing over edge_index with scatter-add aggregation, then masked mean
    # pooling for the final state.
    mask = (data != PAD)
    x = jnp.take(embed, data, axis=0) * mask[:, None].astype(jnp.float32)
    h = jnp.tanh(x @ W_in)
    src = edge_index[0]
    dst = edge_index[1]
    msg = (jnp.take(h, src, axis=0) @ W_msg) * edge_weight[:, None]
    agg = jax.ops.segment_sum(msg, dst, num_segments=N)
    deg = jax.ops.segment_sum(edge_weight, dst, num_segments=N)
    h = jnp.tanh(agg / (deg[:, None] + 1e-6) + h @ W_self + b)
    flattened_internal = h * mask[:, None].astype(jnp.float32)
    denom = jnp.maximum(mask.sum().astype(jnp.float32), 1.0)
    final_state = flattened_internal.sum(axis=0) / denom
    return (flattened_internal, final_state)

if __name__ == "__main__":
    import jax
    _d = setup_inputs()
    print(jax.jit(kernel)(*tuple(_d.values())))

</pallas_src>

<mosaic_0001>
#map = affine_map<(d0, d1) -> (0, 0)>
#map1 = affine_map<(d0, d1) -> (0)>
module attributes {stable_mosaic.version = 14 : i64} {
  func.func @k(%arg0: i32, %arg1: i32, %arg2: memref<32000x128xf32, #tpu.memory_space<hbm>>, %arg3: memref<10240xi32, #tpu.memory_space<hbm>>, %arg4: memref<10240x128xf32, #tpu.memory_space<hbm>>, %arg5: memref<320xi32, #tpu.memory_space<vmem>>, %arg6: memref<320x128xf32, #tpu.memory_space<vmem>>, %arg7: memref<!tpu.dma_semaphore, #tpu.memory_space<semaphore_mem>>) attributes {dimension_semantics = [#tpu.dimension_semantics<core_parallel>, #tpu.dimension_semantics<subcore_parallel>], iteration_bounds = array<i64: 2, 16>, scalar_prefetch = 0 : i64, scratch_operands = 3 : i64, tpu.core_type = #tpu.core_type<sc_vector_subcore>, window_params = [{transform_indices = #map}, {transform_indices = #map1}, {transform_indices = #map}]} {
    %mul3A = arith.constant 2 : i32
    %mul3A_0 = arith.muli %arg1, %mul3A : i32
    %add3A = arith.addi %mul3A_0, %arg0 : i32
    %mul3A_1 = arith.constant 320 : i32
    %mul3A_2 = arith.muli %add3A, %mul3A_1 : i32
    "tpu.region"() ({
      %run_scoped3A = tpu.sem_alloc : memref<!tpu.dma_semaphore, #tpu.memory_space<semaphore_mem>>
      %dma_start3A_65 = tpu.memref_slice %arg3[%mul3A_2] : memref<10240xi32, #tpu.memory_space<hbm>> -> memref<320xi32, #tpu.memory_space<hbm>>
      %dma_start3A_66 = tpu.memref_slice %arg3[%mul3A_2] : memref<10240xi32, #tpu.memory_space<hbm>> -> memref<320xi32, #tpu.memory_space<hbm>>
      tpu.enqueue_dma source(%dma_start3A_66 : memref<320xi32, #tpu.memory_space<hbm>>) target(%arg5 : memref<320xi32, #tpu.memory_space<vmem>>) target_semaphore(%run_scoped3A : memref<!tpu.dma_semaphore, #tpu.memory_space<semaphore_mem>>)
      %dma_wait3A_67 = tpu.memref_slice %arg3[%mul3A_2] : memref<10240xi32, #tpu.memory_space<hbm>> -> memref<320xi32, #tpu.memory_space<hbm>>
      %dma_wait3A_68 = tpu.memref_slice %arg3[%mul3A_2] : memref<10240xi32, #tpu.memory_space<hbm>> -> memref<320xi32, #tpu.memory_space<hbm>>
      tpu.wait_dma2 semaphore(%run_scoped3A : memref<!tpu.dma_semaphore, #tpu.memory_space<semaphore_mem>>) src(%dma_wait3A_68 : memref<320xi32, #tpu.memory_space<hbm>>) dst(%arg5 : memref<320xi32, #tpu.memory_space<vmem>>)
      tpu.yield
    }) : () -> ()
    %dma_start3A = arith.constant 0 : i32
    %dma_start3A_3 = arith.constant 0 : i32
    %dma_start3A_4 = tpu.memref_slice %arg6[%dma_start3A, %dma_start3A_3] : memref<320x128xf32, #tpu.memory_space<vmem>> -> memref<80x128xf32, #tpu.memory_space<vmem>>
    %dma_start3A_5 = arith.constant 0 : i32
    %dma_start3A_6 = tpu.memref_slice %arg5[%dma_start3A_5] : memref<320xi32, #tpu.memory_space<vmem>> -> memref<80xi32, #tpu.memory_space<vmem>>
    %dma_start3A_7 = arith.constant 0 : i32
    %dma_start3A_8 = arith.constant 0 : i32
    %dma_start3A_9 = tpu.memref_slice %arg2[%dma_start3A_7, %dma_start3A_8] : memref<32000x128xf32, #tpu.memory_space<hbm>> -> memref<32000x128xf32, #tpu.memory_space<hbm>>
    tpu.enqueue_indirect_dma source(%dma_start3A_9 : memref<32000x128xf32, #tpu.memory_space<hbm>>) target(%dma_start3A_4 : memref<80x128xf32, #tpu.memory_space<vmem>>) offsets(%dma_start3A_6 : memref<80xi32, #tpu.memory_space<vmem>>) semaphore(%arg7 : memref<!tpu.dma_semaphore, #tpu.memory_space<semaphore_mem>>)
    %dma_start3A_10 = arith.constant 80 : i32
    %dma_start3A_11 = arith.constant 0 : i32
    %dma_start3A_12 = tpu.memref_slice %arg6[%dma_start3A_10, %dma_start3A_11] : memref<320x128xf32, #tpu.memory_space<vmem>> -> memref<80x128xf32, #tpu.memory_space<vmem>>
    %dma_start3A_13 = arith.constant 80 : i32
    %dma_start3A_14 = tpu.memref_slice %arg5[%dma_start3A_13] : memref<320xi32, #tpu.memory_space<vmem>> -> memref<80xi32, #tpu.memory_space<vmem>>
    %dma_start3A_15 = arith.constant 0 : i32
    %dma_start3A_16 = arith.constant 0 : i32
    %dma_start3A_17 = tpu.memref_slice %arg2[%dma_start3A_15, %dma_start3A_16] : memref<32000x128xf32, #tpu.memory_space<hbm>> -> memref<32000x128xf32, #tpu.memory_space<hbm>>
    tpu.enqueue_indirect_dma source(%dma_start3A_17 : memref<32000x128xf32, #tpu.memory_space<hbm>>) target(%dma_start3A_12 : memref<80x128xf32, #tpu.memory_space<vmem>>) offsets(%dma_start3A_14 : memref<80xi32, #tpu.memory_space<vmem>>) semaphore(%arg7 : memref<!tpu.dma_semaphore, #tpu.memory_space<semaphore_mem>>)
    %dma_start3A_18 = arith.constant 160 : i32
    %dma_start3A_19 = arith.constant 0 : i32
    %dma_start3A_20 = tpu.memref_slice %arg6[%dma_start3A_18, %dma_start3A_19] : memref<320x128xf32, #tpu.memory_space<vmem>> -> memref<80x128xf32, #tpu.memory_space<vmem>>
    %dma_start3A_21 = arith.constant 160 : i32
    %dma_start3A_22 = tpu.memref_slice %arg5[%dma_start3A_21] : memref<320xi32, #tpu.memory_space<vmem>> -> memref<80xi32, #tpu.memory_space<vmem>>
    %dma_start3A_23 = arith.constant 0 : i32
    %dma_start3A_24 = arith.constant 0 : i32
    %dma_start3A_25 = tpu.memref_slice %arg2[%dma_start3A_23, %dma_start3A_24] : memref<32000x128xf32, #tpu.memory_space<hbm>> -> memref<32000x128xf32, #tpu.memory_space<hbm>>
    tpu.enqueue_indirect_dma source(%dma_start3A_25 : memref<32000x128xf32, #tpu.memory_space<hbm>>) target(%dma_start3A_20 : memref<80x128xf32, #tpu.memory_space<vmem>>) offsets(%dma_start3A_22 : memref<80xi32, #tpu.memory_space<vmem>>) semaphore(%arg7 : memref<!tpu.dma_semaphore, #tpu.memory_space<semaphore_mem>>)
    %dma_start3A_26 = arith.constant 240 : i32
    %dma_start3A_27 = arith.constant 0 : i32
    %dma_start3A_28 = tpu.memref_slice %arg6[%dma_start3A_26, %dma_start3A_27] : memref<320x128xf32, #tpu.memory_space<vmem>> -> memref<80x128xf32, #tpu.memory_space<vmem>>
    %dma_start3A_29 = arith.constant 240 : i32
    %dma_start3A_30 = tpu.memref_slice %arg5[%dma_start3A_29] : memref<320xi32, #tpu.memory_space<vmem>> -> memref<80xi32, #tpu.memory_space<vmem>>
    %dma_start3A_31 = arith.constant 0 : i32
    %dma_start3A_32 = arith.constant 0 : i32
    %dma_start3A_33 = tpu.memref_slice %arg2[%dma_start3A_31, %dma_start3A_32] : memref<32000x128xf32, #tpu.memory_space<hbm>> -> memref<32000x128xf32, #tpu.memory_space<hbm>>
    tpu.enqueue_indirect_dma source(%dma_start3A_33 : memref<32000x128xf32, #tpu.memory_space<hbm>>) target(%dma_start3A_28 : memref<80x128xf32, #tpu.memory_space<vmem>>) offsets(%dma_start3A_30 : memref<80xi32, #tpu.memory_space<vmem>>) semaphore(%arg7 : memref<!tpu.dma_semaphore, #tpu.memory_space<semaphore_mem>>)
    %dma_wait3A = arith.constant 0 : i32
    %dma_wait3A_34 = arith.constant 0 : i32
    %dma_wait3A_35 = tpu.memref_slice %arg6[%dma_wait3A, %dma_wait3A_34] : memref<320x128xf32, #tpu.memory_space<vmem>> -> memref<80x128xf32, #tpu.memory_space<vmem>>
    %dma_wait3A_36 = arith.constant 0 : i32
    %dma_wait3A_37 = tpu.memref_slice %arg5[%dma_wait3A_36] : memref<320xi32, #tpu.memory_space<vmem>> -> memref<80xi32, #tpu.memory_space<vmem>>
    %dma_wait3A_38 = arith.constant 0 : i32
    %dma_wait3A_39 = arith.constant 0 : i32
    %dma_wait3A_40 = tpu.memref_slice %arg2[%dma_wait3A_38, %dma_wait3A_39] : memref<32000x128xf32, #tpu.memory_space<hbm>> -> memref<32000x128xf32, #tpu.memory_space<hbm>>
    tpu.wait_indirect_dma semaphore(%arg7 : memref<!tpu.dma_semaphore, #tpu.memory_space<semaphore_mem>>) src(%dma_wait3A_40 : memref<32000x128xf32, #tpu.memory_space<hbm>>) dst(%dma_wait3A_35 : memref<80x128xf32, #tpu.memory_space<vmem>>)
    %dma_wait3A_41 = arith.constant 80 : i32
    %dma_wait3A_42 = arith.constant 0 : i32
    %dma_wait3A_43 = tpu.memref_slice %arg6[%dma_wait3A_41, %dma_wait3A_42] : memref<320x128xf32, #tpu.memory_space<vmem>> -> memref<80x128xf32, #tpu.memory_space<vmem>>
    %dma_wait3A_44 = arith.constant 80 : i32
    %dma_wait3A_45 = tpu.memref_slice %arg5[%dma_wait3A_44] : memref<320xi32, #tpu.memory_space<vmem>> -> memref<80xi32, #tpu.memory_space<vmem>>
    %dma_wait3A_46 = arith.constant 0 : i32
    %dma_wait3A_47 = arith.constant 0 : i32
    %dma_wait3A_48 = tpu.memref_slice %arg2[%dma_wait3A_46, %dma_wait3A_47] : memref<32000x128xf32, #tpu.memory_space<hbm>> -> memref<32000x128xf32, #tpu.memory_space<hbm>>
    tpu.wait_indirect_dma semaphore(%arg7 : memref<!tpu.dma_semaphore, #tpu.memory_space<semaphore_mem>>) src(%dma_wait3A_48 : memref<32000x128xf32, #tpu.memory_space<hbm>>) dst(%dma_wait3A_43 : memref<80x128xf32, #tpu.memory_space<vmem>>)
    %dma_wait3A_49 = arith.constant 160 : i32
    %dma_wait3A_50 = arith.constant 0 : i32
    %dma_wait3A_51 = tpu.memref_slice %arg6[%dma_wait3A_49, %dma_wait3A_50] : memref<320x128xf32, #tpu.memory_space<vmem>> -> memref<80x128xf32, #tpu.memory_space<vmem>>
    %dma_wait3A_52 = arith.constant 160 : i32
    %dma_wait3A_53 = tpu.memref_slice %arg5[%dma_wait3A_52] : memref<320xi32, #tpu.memory_space<vmem>> -> memref<80xi32, #tpu.memory_space<vmem>>
    %dma_wait3A_54 = arith.constant 0 : i32
    %dma_wait3A_55 = arith.constant 0 : i32
    %dma_wait3A_56 = tpu.memref_slice %arg2[%dma_wait3A_54, %dma_wait3A_55] : memref<32000x128xf32, #tpu.memory_space<hbm>> -> memref<32000x128xf32, #tpu.memory_space<hbm>>
    tpu.wait_indirect_dma semaphore(%arg7 : memref<!tpu.dma_semaphore, #tpu.memory_space<semaphore_mem>>) src(%dma_wait3A_56 : memref<32000x128xf32, #tpu.memory_space<hbm>>) dst(%dma_wait3A_51 : memref<80x128xf32, #tpu.memory_space<vmem>>)
    %dma_wait3A_57 = arith.constant 240 : i32
    %dma_wait3A_58 = arith.constant 0 : i32
    %dma_wait3A_59 = tpu.memref_slice %arg6[%dma_wait3A_57, %dma_wait3A_58] : memref<320x128xf32, #tpu.memory_space<vmem>> -> memref<80x128xf32, #tpu.memory_space<vmem>>
    %dma_wait3A_60 = arith.constant 240 : i32
    %dma_wait3A_61 = tpu.memref_slice %arg5[%dma_wait3A_60] : memref<320xi32, #tpu.memory_space<vmem>> -> memref<80xi32, #tpu.memory_space<vmem>>
    %dma_wait3A_62 = arith.constant 0 : i32
    %dma_wait3A_63 = arith.constant 0 : i32
    %dma_wait3A_64 = tpu.memref_slice %arg2[%dma_wait3A_62, %dma_wait3A_63] : memref<32000x128xf32, #tpu.memory_space<hbm>> -> memref<32000x128xf32, #tpu.memory_space<hbm>>
    tpu.wait_indirect_dma semaphore(%arg7 : memref<!tpu.dma_semaphore, #tpu.memory_space<semaphore_mem>>) src(%dma_wait3A_64 : memref<32000x128xf32, #tpu.memory_space<hbm>>) dst(%dma_wait3A_59 : memref<80x128xf32, #tpu.memory_space<vmem>>)
    "tpu.region"() ({
      %run_scoped3A = tpu.sem_alloc : memref<!tpu.dma_semaphore, #tpu.memory_space<semaphore_mem>>
      %dma_start3A_65 = arith.constant 0 : i32
      %dma_start3A_66 = tpu.memref_slice %arg4[%mul3A_2, %dma_start3A_65] : memref<10240x128xf32, #tpu.memory_space<hbm>> -> memref<320x128xf32, #tpu.memory_space<hbm>>
      %dma_start3A_67 = arith.constant 0 : i32
      %dma_start3A_68 = tpu.memref_slice %arg4[%mul3A_2, %dma_start3A_67] : memref<10240x128xf32, #tpu.memory_space<hbm>> -> memref<320x128xf32, #tpu.memory_space<hbm>>
      tpu.enqueue_dma source(%arg6 : memref<320x128xf32, #tpu.memory_space<vmem>>) target(%dma_start3A_68 : memref<320x128xf32, #tpu.memory_space<hbm>>) target_semaphore(%run_scoped3A : memref<!tpu.dma_semaphore, #tpu.memory_space<semaphore_mem>>)
      %dma_wait3A_69 = arith.constant 0 : i32
      %dma_wait3A_70 = tpu.memref_slice %arg4[%mul3A_2, %dma_wait3A_69] : memref<10240x128xf32, #tpu.memory_space<hbm>> -> memref<320x128xf32, #tpu.memory_space<hbm>>
      %dma_wait3A_71 = arith.constant 0 : i32
      %dma_wait3A_72 = tpu.memref_slice %arg4[%mul3A_2, %dma_wait3A_71] : memref<10240x128xf32, #tpu.memory_space<hbm>> -> memref<320x128xf32, #tpu.memory_space<hbm>>
      tpu.wait_dma2 semaphore(%run_scoped3A : memref<!tpu.dma_semaphore, #tpu.memory_space<semaphore_mem>>) src(%arg6 : memref<320x128xf32, #tpu.memory_space<vmem>>) dst(%dma_wait3A_72 : memref<320x128xf32, #tpu.memory_space<hbm>>)
      tpu.yield
    }) : () -> ()
    return
  }
}

#map = affine_map<(d0, d1) -> (0, 0)>
#map1 = affine_map<(d0, d1) -> (0)>
module attributes {stable_mosaic.version = 14 : i64} {
  func.func @k(%arg0: i32, %arg1: i32, %arg2: memref<64x10240xi32, #tpu.memory_space<hbm>>, %arg3: memref<320000xi32, #tpu.memory_space<hbm>>, %arg4: memref<320000xf32, #tpu.memory_space<hbm>>, %arg5: memref<160x10240xf32, #tpu.memory_space<hbm>>, %arg6: memref<10240xi32, #tpu.memory_space<vmem>>, %arg7: memref<10240xi32, #tpu.memory_space<vmem>>, %arg8: memref<10240xf32, #tpu.memory_space<vmem>>, %arg9: memref<10240xf32, #tpu.memory_space<vmem>>, %arg10: memref<10240xf32, #tpu.memory_space<vmem>>, %arg11: memref<10240xf32, #tpu.memory_space<vmem>>, %arg12: memref<10240xf32, #tpu.memory_space<vmem>>, %arg13: memref<2x10000xi32, #tpu.memory_space<vmem>>, %arg14: memref<2x10000xf32, #tpu.memory_space<vmem>>, %arg15: memref<!tpu.dma_semaphore, #tpu.memory_space<semaphore_mem>>, %arg16: memref<!tpu.dma_semaphore, #tpu.memory_space<semaphore_mem>>) attributes {dimension_semantics = [#tpu.dimension_semantics<core_parallel>, #tpu.dimension_semantics<subcore_parallel>], iteration_bounds = array<i64: 2, 16>, scalar_prefetch = 0 : i64, scratch_operands = 11 : i64, tpu.core_type = #tpu.core_type<sc_vector_subcore>, window_params = [{transform_indices = #map}, {transform_indices = #map1}, {transform_indices = #map1}, {transform_indices = #map}]} {
    %mul3A = arith.constant 2 : i32
    %mul3A_0 = arith.muli %arg1, %mul3A : i32
    %add3A = arith.addi %mul3A_0, %arg0 : i32
    %mul3A_1 = arith.constant 0 : i32
    %mul3A_2 = arith.muli %add3A, %mul3A_1 : i32
    %convert_element_type3A = arith.sitofp %mul3A_2 : i32 to f32
    %broadcast_in_dim3A = vector.broadcast %convert_element_type3A : f32 to vector<16xf32>
    %mul3A_3 = arith.constant 2 : i32
    %mul3A_4 = arith.muli %mul3A_3, %add3A : i32
    %add3A_5 = arith.constant 0 : i32
    %add3A_6 = arith.addi %mul3A_4, %add3A_5 : i32
    "tpu.region"() ({
      %run_scoped3A = tpu.sem_alloc : memref<!tpu.dma_semaphore, #tpu.memory_space<semaphore_mem>>
      %dma_start3A_180 = arith.constant 0 : i32
      %dma_start3A_181 = tpu.memref_slice %arg2[%add3A_6, %dma_start3A_180] : memref<64x10240xi32, #tpu.memory_space<hbm>> -> memref<1x10240xi32, #tpu.memory_space<hbm>>
      %dma_start3A_182 = tpu.memref_squeeze %dma_start3A_181 : memref<1x10240xi32, #tpu.memory_space<hbm>> -> memref<10240xi32, #tpu.memory_space<hbm>>
      %dma_start3A_183 = arith.constant 0 : i32
      %dma_start3A_184 = tpu.memref_slice %arg2[%add3A_6, %dma_start3A_183] : memref<64x10240xi32, #tpu.memory_space<hbm>> -> memref<1x10240xi32, #tpu.memory_space<hbm>>
      %dma_start3A_185 = tpu.memref_squeeze %dma_start3A_184 : memref<1x10240xi32, #tpu.memory_space<hbm>> -> memref<10240xi32, #tpu.memory_space<hbm>>
      tpu.enqueue_dma source(%dma_start3A_185 : memref<10240xi32, #tpu.memory_space<hbm>>) target(%arg6 : memref<10240xi32, #tpu.memory_space<vmem>>) target_semaphore(%run_scoped3A : memref<!tpu.dma_semaphore, #tpu.memory_space<semaphore_mem>>)
      %dma_wait3A_186 = arith.constant 0 : i32
      %dma_wait3A_187 = tpu.memref_slice %arg2[%add3A_6, %dma_wait3A_186] : memref<64x10240xi32, #tpu.memory_space<hbm>> -> memref<1x10240xi32, #tpu.memory_space<hbm>>
      %dma_wait3A_188 = tpu.memref_squeeze %dma_wait3A_187 : memref<1x10240xi32, #tpu.memory_space<hbm>> -> memref<10240xi32, #tpu.memory_space<hbm>>
      %dma_wait3A_189 = arith.constant 0 : i32
      %dma_wait3A_190 = tpu.memref_slice %arg2[%add3A_6, %dma_wait3A_189] : memref<64x10240xi32, #tpu.memory_space<hbm>> -> memref<1x10240xi32, #tpu.memory_space<hbm>>
      %dma_wait3A_191 = tpu.memref_squeeze %dma_wait3A_190 : memref<1x10240xi32, #tpu.memory_space<hbm>> -> memref<10240xi32, #tpu.memory_space<hbm>>
      tpu.wait_dma2 semaphore(%run_scoped3A : memref<!tpu.dma_semaphore, #tpu.memory_space<semaphore_mem>>) src(%dma_wait3A_191 : memref<10240xi32, #tpu.memory_space<hbm>>) dst(%arg6 : memref<10240xi32, #tpu.memory_space<vmem>>)
      tpu.yield
    }) : () -> ()
    %mul3A_7 = arith.constant 2 : i32
    %mul3A_8 = arith.muli %mul3A_7, %add3A : i32
    %add3A_9 = arith.constant 1 : i32
    %add3A_10 = arith.addi %mul3A_8, %add3A_9 : i32
    "tpu.region"() ({
      %run_scoped3A = tpu.sem_alloc : memref<!tpu.dma_semaphore, #tpu.memory_space<semaphore_mem>>
      %dma_start3A_180 = arith.constant 0 : i32
      %dma_start3A_181 = tpu.memref_slice %arg2[%add3A_10, %dma_start3A_180] : memref<64x10240xi32, #tpu.memory_space<hbm>> -> memref<1x10240xi32, #tpu.memory_space<hbm>>
      %dma_start3A_182 = tpu.memref_squeeze %dma_start3A_181 : memref<1x10240xi32, #tpu.memory_space<hbm>> -> memref<10240xi32, #tpu.memory_space<hbm>>
      %dma_start3A_183 = arith.constant 0 : i32
      %dma_start3A_184 = tpu.memref_slice %arg2[%add3A_10, %dma_start3A_183] : memref<64x10240xi32, #tpu.memory_space<hbm>> -> memref<1x10240xi32, #tpu.memory_space<hbm>>
      %dma_start3A_185 = tpu.memref_squeeze %dma_start3A_184 : memref<1x10240xi32, #tpu.memory_space<hbm>> -> memref<10240xi32, #tpu.memory_space<hbm>>
      tpu.enqueue_dma source(%dma_start3A_185 : memref<10240xi32, #tpu.memory_space<hbm>>) target(%arg7 : memref<10240xi32, #tpu.memory_space<vmem>>) target_semaphore(%run_scoped3A : memref<!tpu.dma_semaphore, #tpu.memory_space<semaphore_mem>>)
      %dma_wait3A_186 = arith.constant 0 : i32
      %dma_wait3A_187 = tpu.memref_slice %arg2[%add3A_10, %dma_wait3A_186] : memref<64x10240xi32, #tpu.memory_space<hbm>> -> memref<1x10240xi32, #tpu.memory_space<hbm>>
      %dma_wait3A_188 = tpu.memref_squeeze %dma_wait3A_187 : memref<1x10240xi32, #tpu.memory_space<hbm>> -> memref<10240xi32, #tpu.memory_space<hbm>>
      %dma_wait3A_189 = arith.constant 0 : i32
      %dma_wait3A_190 = tpu.memref_slice %arg2[%add3A_10, %dma_wait3A_189] : memref<64x10240xi32, #tpu.memory_space<hbm>> -> memref<1x10240xi32, #tpu.memory_space<hbm>>
      %dma_wait3A_191 = tpu.memref_squeeze %dma_wait3A_190 : memref<1x10240xi32, #tpu.memory_space<hbm>> -> memref<10240xi32, #tpu.memory_space<hbm>>
      tpu.wait_dma2 semaphore(%run_scoped3A : memref<!tpu.dma_semaphore, #tpu.memory_space<semaphore_mem>>) src(%dma_wait3A_191 : memref<10240xi32, #tpu.memory_space<hbm>>) dst(%arg7 : memref<10240xi32, #tpu.memory_space<vmem>>)
      tpu.yield
    }) : () -> ()
    %parallel_loop3A = arith.constant 0 : i32
    %parallel_loop3A_11 = arith.constant 10240 : i32
    %parallel_loop3A_12 = arith.constant 16 : i32
    scf.for %parallel_loop3A_180 = %parallel_loop3A to %parallel_loop3A_11 step %parallel_loop3A_12  : i32 {
      %parallel_loop3A_181 = arith.index_cast %parallel_loop3A_180 : i32 to index
      %parallel_loop3A_182 = tpu.vector_load %arg8[%parallel_loop3A_181] {strides = array<i32>} : memref<10240xf32, #tpu.memory_space<vmem>>, vector<16xf32>,
      tpu.vector_store %arg8[%parallel_loop3A_181], %broadcast_in_dim3A {strides = array<i32>} : memref<10240xf32, #tpu.memory_space<vmem>>, vector<16xf32>,
      %parallel_loop3A_183 = arith.index_cast %parallel_loop3A_180 : i32 to index
      %parallel_loop3A_184 = tpu.vector_load %arg9[%parallel_loop3A_183] {strides = array<i32>} : memref<10240xf32, #tpu.memory_space<vmem>>, vector<16xf32>,
      tpu.vector_store %arg9[%parallel_loop3A_183], %broadcast_in_dim3A {strides = array<i32>} : memref<10240xf32, #tpu.memory_space<vmem>>, vector<16xf32>,
      %parallel_loop3A_185 = arith.index_cast %parallel_loop3A_180 : i32 to index
      %parallel_loop3A_186 = tpu.vector_load %arg10[%parallel_loop3A_185] {strides = array<i32>} : memref<10240xf32, #tpu.memory_space<vmem>>, vector<16xf32>,
      tpu.vector_store %arg10[%parallel_loop3A_185], %broadcast_in_dim3A {strides = array<i32>} : memref<10240xf32, #tpu.memory_space<vmem>>, vector<16xf32>,
      %parallel_loop3A_187 = arith.index_cast %parallel_loop3A_180 : i32 to index
      %parallel_loop3A_188 = tpu.vector_load %arg11[%parallel_loop3A_187] {strides = array<i32>} : memref<10240xf32, #tpu.memory_space<vmem>>, vector<16xf32>,
      tpu.vector_store %arg11[%parallel_loop3A_187], %broadcast_in_dim3A {strides = array<i32>} : memref<10240xf32, #tpu.memory_space<vmem>>, vector<16xf32>,
      %parallel_loop3A_189 = arith.index_cast %parallel_loop3A_180 : i32 to index
      %parallel_loop3A_190 = tpu.vector_load %arg12[%parallel_loop3A_189] {strides = array<i32>} : memref<10240xf32, #tpu.memory_space<vmem>>, vector<16xf32>,
      tpu.vector_store %arg12[%parallel_loop3A_189], %broadcast_in_dim3A {strides = array<i32>} : memref<10240xf32, #tpu.memory_space<vmem>>, vector<16xf32>,
    } {sc.loop_unroll_factor = 4 : i64, sc.parallel_access}
    %dma_start3A = arith.constant 0 : i32
    %dma_start3A_13 = arith.constant 0 : i32
    %dma_start3A_14 = tpu.memref_slice %arg13[%dma_start3A, %dma_start3A_13] : memref<2x10000xi32, #tpu.memory_space<vmem>> -> memref<1x10000xi32, #tpu.memory_space<vmem>>
    %dma_start3A_15 = tpu.memref_squeeze %dma_start3A_14 : memref<1x10000xi32, #tpu.memory_space<vmem>> -> memref<10000xi32, #tpu.memory_space<vmem>>
    %dma_start3A_16 = arith.constant 0 : i32
    %dma_start3A_17 = tpu.memref_slice %arg3[%dma_start3A_16] : memref<320000xi32, #tpu.memory_space<hbm>> -> memref<10000xi32, #tpu.memory_space<hbm>>
    %dma_start3A_18 = arith.constant 0 : i32
    %dma_start3A_19 = tpu.memref_slice %arg13[%dma_start3A, %dma_start3A_18] : memref<2x10000xi32, #tpu.memory_space<vmem>> -> memref<1x10000xi32, #tpu.memory_space<vmem>>
    %dma_start3A_20 = tpu.memref_squeeze %dma_start3A_19 : memref<1x10000xi32, #tpu.memory_space<vmem>> -> memref<10000xi32, #tpu.memory_space<vmem>>
    %dma_start3A_21 = arith.constant 0 : i32
    %dma_start3A_22 = tpu.memref_slice %arg3[%dma_start3A_21] : memref<320000xi32, #tpu.memory_space<hbm>> -> memref<10000xi32, #tpu.memory_space<hbm>>
    tpu.enqueue_dma source(%dma_start3A_22 : memref<10000xi32, #tpu.memory_space<hbm>>) target(%dma_start3A_20 : memref<10000xi32, #tpu.memory_space<vmem>>) target_semaphore(%arg15 : memref<!tpu.dma_semaphore, #tpu.memory_space<semaphore_mem>>)
    %dma_start3A_23 = arith.constant 0 : i32
    %dma_start3A_24 = arith.constant 0 : i32
    %dma_start3A_25 = tpu.memref_slice %arg14[%dma_start3A_23, %dma_start3A_24] : memref<2x10000xf32, #tpu.memory_space<vmem>> -> memref<1x10000xf32, #tpu.memory_space<vmem>>
    %dma_start3A_26 = tpu.memref_squeeze %dma_start3A_25 : memref<1x10000xf32, #tpu.memory_space<vmem>> -> memref<10000xf32, #tpu.memory_space<vmem>>
    %dma_start3A_27 = arith.constant 0 : i32
    %dma_start3A_28 = tpu.memref_slice %arg4[%dma_start3A_27] : memref<320000xf32, #tpu.memory_space<hbm>> -> memref<10000xf32, #tpu.memory_space<hbm>>
    %dma_start3A_29 = arith.constant 0 : i32
    %dma_start3A_30 = tpu.memref_slice %arg14[%dma_start3A_23, %dma_start3A_29] : memref<2x10000xf32, #tpu.memory_space<vmem>> -> memref<1x10000xf32, #tpu.memory_space<vmem>>
    %dma_start3A_31 = tpu.memref_squeeze %dma_start3A_30 : memref<1x10000xf32, #tpu.memory_space<vmem>> -> memref<10000xf32, #tpu.memory_space<vmem>>
    %dma_start3A_32 = arith.constant 0 : i32
    %dma_start3A_33 = tpu.memref_slice %arg4[%dma_start3A_32] : memref<320000xf32, #tpu.memory_space<hbm>> -> memref<10000xf32, #tpu.memory_space<hbm>>
    tpu.enqueue_dma source(%dma_start3A_33 : memref<10000xf32, #tpu.memory_space<hbm>>) target(%dma_start3A_31 : memref<10000xf32, #tpu.memory_space<vmem>>) target_semaphore(%arg15 : memref<!tpu.dma_semaphore, #tpu.memory_space<semaphore_mem>>)
    %scan3A = arith.constant 0 : i32
    %scan3A_34 = arith.constant 0 : i32
    %scan3A_35 = arith.constant 16 : i32
    %scan3A_36 = arith.addi %scan3A_34, %scan3A_35 : i32
    %scan3A_37 = arith.constant 1 : i32
    %scan3A_38 = scf.for %scan3A_180 = %scan3A_34 to %scan3A_36 step %scan3A_37 iter_args(%scan3A_181 = %scan3A) -> (i32)  : i32 {
      %mul3A_182 = arith.constant 2 : i32
      %mul3A_183 = arith.muli %mul3A_182, %scan3A_180 : i32
      %add3A_184 = arith.constant 1 : i32
      %add3A_185 = arith.addi %mul3A_183, %add3A_184 : i32
      %mul3A_186 = arith.constant 10000 : i32
      %mul3A_187 = arith.muli %add3A_185, %mul3A_186 : i32
      %dma_start3A_188 = arith.constant 1 : i32
      %dma_start3A_189 = arith.constant 0 : i32
      %dma_start3A_190 = tpu.memref_slice %arg13[%dma_start3A_188, %dma_start3A_189] : memref<2x10000xi32, #tpu.memory_space<vmem>> -> memref<1x10000xi32, #tpu.memory_space<vmem>>
      %dma_start3A_191 = tpu.memref_squeeze %dma_start3A_190 : memref<1x10000xi32, #tpu.memory_space<vmem>> -> memref<10000xi32, #tpu.memory_space<vmem>>
      %dma_start3A_192 = tpu.memref_slice %arg3[%mul3A_187] : memref<320000xi32, #tpu.memory_space<hbm>> -> memref<10000xi32, #tpu.memory_space<hbm>>
      %dma_start3A_193 = arith.constant 0 : i32
      %dma_start3A_194 = tpu.memref_slice %arg13[%dma_start3A_188, %dma_start3A_193] : memref<2x10000xi32, #tpu.memory_space<vmem>> -> memref<1x10000xi32, #tpu.memory_space<vmem>>
      %dma_start3A_195 = tpu.memref_squeeze %dma_start3A_194 : memref<1x10000xi32, #tpu.memory_space<vmem>> -> memref<10000xi32, #tpu.memory_space<vmem>>
      %dma_start3A_196 = tpu.memref_slice %arg3[%mul3A_187] : memref<320000xi32, #tpu.memory_space<hbm>> -> memref<10000xi32, #tpu.memory_space<hbm>>
      tpu.enqueue_dma source(%dma_start3A_196 : memref<10000xi32, #tpu.memory_space<hbm>>) target(%dma_start3A_195 : memref<10000xi32, #tpu.memory_space<vmem>>) target_semaphore(%arg16 : memref<!tpu.dma_semaphore, #tpu.memory_space<semaphore_mem>>)
      %dma_start3A_197 = arith.constant 1 : i32
      %dma_start3A_198 = arith.constant 0 : i32
      %dma_start3A_199 = tpu.memref_slice %arg14[%dma_start3A_197, %dma_start3A_198] : memref<2x10000xf32, #tpu.memory_space<vmem>> -> memref<1x10000xf32, #tpu.memory_space<vmem>>
      %dma_start3A_200 = tpu.memref_squeeze %dma_start3A_199 : memref<1x10000xf32, #tpu.memory_space<vmem>> -> memref<10000xf32, #tpu.memory_space<vmem>>
      %dma_start3A_201 = tpu.memref_slice %arg4[%mul3A_187] : memref<320000xf32, #tpu.memory_space<hbm>> -> memref<10000xf32, #tpu.memory_space<hbm>>
      %dma_start3A_202 = arith.constant 0 : i32
      %dma_start3A_203 = tpu.memref_slice %arg14[%dma_start3A_197, %dma_start3A_202] : memref<2x10000xf32, #tpu.memory_space<vmem>> -> memref<1x10000xf32, #tpu.memory_space<vmem>>
      %dma_start3A_204 = tpu.memref_squeeze %dma_start3A_203 : memref<1x10000xf32, #tpu.memory_space<vmem>> -> memref<10000xf32, #tpu.memory_space<vmem>>
      %dma_start3A_205 = tpu.memref_slice %arg4[%mul3A_187] : memref<320000xf32, #tpu.memory_space<hbm>> -> memref<10000xf32, #tpu.memory_space<hbm>>
      tpu.enqueue_dma source(%dma_start3A_205 : memref<10000xf32, #tpu.memory_space<hbm>>) target(%dma_start3A_204 : memref<10000xf32, #tpu.memory_space<vmem>>) target_semaphore(%arg16 : memref<!tpu.dma_semaphore, #tpu.memory_space<semaphore_mem>>)
      %dma_wait3A_206 = arith.constant 0 : i32
      %dma_wait3A_207 = arith.constant 0 : i32
      %dma_wait3A_208 = tpu.memref_slice %arg13[%dma_wait3A_206, %dma_wait3A_207] : memref<2x10000xi32, #tpu.memory_space<vmem>> -> memref<1x10000xi32, #tpu.memory_space<vmem>>
      %dma_wait3A_209 = tpu.memref_squeeze %dma_wait3A_208 : memref<1x10000xi32, #tpu.memory_space<vmem>> -> memref<10000xi32, #tpu.memory_space<vmem>>
      %dma_wait3A_210 = arith.constant 0 : i32
      %dma_wait3A_211 = tpu.memref_slice %arg3[%dma_wait3A_210] : memref<320000xi32, #tpu.memory_space<hbm>> -> memref<10000xi32, #tpu.memory_space<hbm>>
      %dma_wait3A_212 = arith.constant 0 : i32
      %dma_wait3A_213 = tpu.memref_slice %arg13[%dma_wait3A_206, %dma_wait3A_212] : memref<2x10000xi32, #tpu.memory_space<vmem>> -> memref<1x10000xi32, #tpu.memory_space<vmem>>
      %dma_wait3A_214 = tpu.memref_squeeze %dma_wait3A_213 : memref<1x10000xi32, #tpu.memory_space<vmem>> -> memref<10000xi32, #tpu.memory_space<vmem>>
      %dma_wait3A_215 = arith.constant 0 : i32
      %dma_wait3A_216 = tpu.memref_slice %arg3[%dma_wait3A_215] : memref<320000xi32, #tpu.memory_space<hbm>> -> memref<10000xi32, #tpu.memory_space<hbm>>
      tpu.wait_dma2 semaphore(%arg15 : memref<!tpu.dma_semaphore, #tpu.memory_space<semaphore_mem>>) src(%dma_wait3A_216 : memref<10000xi32, #tpu.memory_space<hbm>>) dst(%dma_wait3A_214 : memref<10000xi32, #tpu.memory_space<vmem>>)
      %dma_wait3A_217 = arith.constant 0 : i32
      %dma_wait3A_218 = arith.constant 0 : i32
      %dma_wait3A_219 = tpu.memref_slice %arg14[%dma_wait3A_217, %dma_wait3A_218] : memref<2x10000xf32, #tpu.memory_space<vmem>> -> memref<1x10000xf32, #tpu.memory_space<vmem>>
      %dma_wait3A_220 = tpu.memref_squeeze %dma_wait3A_219 : memref<1x10000xf32, #tpu.memory_space<vmem>> -> memref<10000xf32, #tpu.memory_space<vmem>>
      %dma_wait3A_221 = arith.constant 0 : i32
      %dma_wait3A_222 = tpu.memref_slice %arg4[%dma_wait3A_221] : memref<320000xf32, #tpu.memory_space<hbm>> -> memref<10000xf32, #tpu.memory_space<hbm>>
      %dma_wait3A_223 = arith.constant 0 : i32
      %dma_wait3A_224 = tpu.memref_slice %arg14[%dma_wait3A_217, %dma_wait3A_223] : memref<2x10000xf32, #tpu.memory_space<vmem>> -> memref<1x10000xf32, #tpu.memory_space<vmem>>
      %dma_wait3A_225 = tpu.memref_squeeze %dma_wait3A_224 : memref<1x10000xf32, #tpu.memory_space<vmem>> -> memref<10000xf32, #tpu.memory_space<vmem>>
      %dma_wait3A_226 = arith.constant 0 : i32
      %dma_wait3A_227 = tpu.memref_slice %arg4[%dma_wait3A_226] : memref<320000xf32, #tpu.memory_space<hbm>> -> memref<10000xf32, #tpu.memory_space<hbm>>
      tpu.wait_dma2 semaphore(%arg15 : memref<!tpu.dma_semaphore, #tpu.memory_space<semaphore_mem>>) src(%dma_wait3A_227 : memref<10000xf32, #tpu.memory_space<hbm>>) dst(%dma_wait3A_225 : memref<10000xf32, #tpu.memory_space<vmem>>)
      %parallel_loop3A_228 = arith.constant 0 : i32
      %parallel_loop3A_229 = arith.constant 10000 : i32
      %parallel_loop3A_230 = arith.constant 16 : i32
      %parallel_loop3A_231 = arith.constant 0 : i32
      %parallel_loop3A_232 = arith.constant 0 : i32
      scf.for %parallel_loop3A_266 = %parallel_loop3A_228 to %parallel_loop3A_229 step %parallel_loop3A_230  : i32 {
        %parallel_loop3A_267 = arith.constant 0 : i32
        %parallel_loop3A_268 = tpu.memref_slice %arg13[%parallel_loop3A_231, %parallel_loop3A_267] : memref<2x10000xi32, #tpu.memory_space<vmem>> -> memref<1x10000xi32, #tpu.memory_space<vmem>>
        %parallel_loop3A_269 = tpu.memref_squeeze %parallel_loop3A_268 : memref<1x10000xi32, #tpu.memory_space<vmem>> -> memref<10000xi32, #tpu.memory_space<vmem>>
        %parallel_loop3A_270 = arith.index_cast %parallel_loop3A_266 : i32 to index
        %parallel_loop3A_271 = tpu.vector_load %parallel_loop3A_269[%parallel_loop3A_270] {strides = array<i32>} : memref<10000xi32, #tpu.memory_space<vmem>>, vector<16xi32>,
        %parallel_loop3A_272 = arith.constant 16383 : i32
        %parallel_loop3A_273 = vector.broadcast %parallel_loop3A_272 : i32 to vector<16xi32>
        %parallel_loop3A_274 = arith.andi %parallel_loop3A_271, %parallel_loop3A_273 : vector<16xi32>
        %parallel_loop3A_275 = arith.constant 14 : i32
        %parallel_loop3A_276 = vector.broadcast %parallel_loop3A_275 : i32 to vector<16xi32>
        %parallel_loop3A_277 = arith.shrsi %parallel_loop3A_271, %parallel_loop3A_276 : vector<16xi32>
        %parallel_loop3A_278 = arith.constant 0 : i32
        %parallel_loop3A_279 = tpu.memref_slice %arg14[%parallel_loop3A_232, %parallel_loop3A_278] : memref<2x10000xf32, #tpu.memory_space<vmem>> -> memref<1x10000xf32, #tpu.memory_space<vmem>>
        %parallel_loop3A_280 = tpu.memref_squeeze %parallel_loop3A_279 : memref<1x10000xf32, #tpu.memory_space<vmem>> -> memref<10000xf32, #tpu.memory_space<vmem>>
        %parallel_loop3A_281 = arith.index_cast %parallel_loop3A_266 : i32 to index
        %parallel_loop3A_282 = tpu.vector_load %parallel_loop3A_280[%parallel_loop3A_281] {strides = array<i32>} : memref<10000xf32, #tpu.memory_space<vmem>>, vector<16xf32>,
        %parallel_loop3A_283 = tpu.vector_load_idx %arg6[%parallel_loop3A_274] : memref<10240xi32, #tpu.memory_space<vmem>>[vector<16xi32>], vector<16xi32>,
        %parallel_loop3A_284 = arith.constant 16 : i32
        %parallel_loop3A_285 = vector.broadcast %parallel_loop3A_284 : i32 to vector<16xi32>
        %parallel_loop3A_286 = arith.shli %parallel_loop3A_283, %parallel_loop3A_285 : vector<16xi32>
        %parallel_loop3A_287 = vector.bitcast %parallel_loop3A_286 : vector<16xi32> to vector<16xf32>
        %parallel_loop3A_288 = arith.constant -65536 : i32
        %parallel_loop3A_289 = vector.broadcast %parallel_loop3A_288 : i32 to vector<16xi32>
        %parallel_loop3A_290 = arith.andi %parallel_loop3A_283, %parallel_loop3A_289 : vector<16xi32>
        %parallel_loop3A_291 = vector.bitcast %parallel_loop3A_290 : vector<16xi32> to vector<16xf32>
        %parallel_loop3A_292 = arith.mulf %parallel_loop3A_287, %parallel_loop3A_282 : vector<16xf32>
        tpu.vector_store_idx %arg8[%parallel_loop3A_277], %parallel_loop3A_292 {add = true} : memref<10240xf32, #tpu.memory_space<vmem>>[vector<16xi32>], vector<16xf32>,
        %parallel_loop3A_293 = arith.mulf %parallel_loop3A_291, %parallel_loop3A_282 : vector<16xf32>
        tpu.vector_store_idx %arg9[%parallel_loop3A_277], %parallel_loop3A_293 {add = true} : memref<10240xf32, #tpu.memory_space<vmem>>[vector<16xi32>], vector<16xf32>,
        %parallel_loop3A_294 = tpu.vector_load_idx %arg7[%parallel_loop3A_274] : memref<10240xi32, #tpu.memory_space<vmem>>[vector<16xi32>], vector<16xi32>,
        %parallel_loop3A_295 = arith.constant 16 : i32
        %parallel_loop3A_296 = vector.broadcast %parallel_loop3A_295 : i32 to vector<16xi32>
        %parallel_loop3A_297 = arith.shli %parallel_loop3A_294, %parallel_loop3A_296 : vector<16xi32>
        %parallel_loop3A_298 = vector.bitcast %parallel_loop3A_297 : vector<16xi32> to vector<16xf32>
        %parallel_loop3A_299 = arith.constant -65536 : i32
        %parallel_loop3A_300 = vector.broadcast %parallel_loop3A_299 : i32 to vector<16xi32>
        %parallel_loop3A_301 = arith.andi %parallel_loop3A_294, %parallel_loop3A_300 : vector<16xi32>
        %parallel_loop3A_302 = vector.bitcast %parallel_loop3A_301 : vector<16xi32> to vector<16xf32>
        %parallel_loop3A_303 = arith.mulf %parallel_loop3A_298, %parallel_loop3A_282 : vector<16xf32>
        tpu.vector_store_idx %arg10[%parallel_loop3A_277], %parallel_loop3A_303 {add = true} : memref<10240xf32, #tpu.memory_space<vmem>>[vector<16xi32>], vector<16xf32>,
        %parallel_loop3A_304 = arith.mulf %parallel_loop3A_302, %parallel_loop3A_282 : vector<16xf32>
        tpu.vector_store_idx %arg11[%parallel_loop3A_277], %parallel_loop3A_304 {add = true} : memref<10240xf32, #tpu.memory_space<vmem>>[vector<16xi32>], vector<16xf32>,
      } {sc.loop_unroll_factor = 8 : i64, sc.parallel_access}
      %add3A_233 = arith.constant 1 : i32
      %add3A_234 = arith.addi %scan3A_180, %add3A_233 : i32
      %lt3A = arith.constant 16 : i32
      %lt3A_235 = arith.cmpi slt, %add3A_234, %lt3A : i32
      %convert_element_type3A_236 = arith.extui %lt3A_235 : i1 to i32
      %cond3A = arith.constant 0 : i32
      %cond3A_237 = arith.cmpi ne, %convert_element_type3A_236, %cond3A : i32
      scf.if %cond3A_237 {
        %mul3A_266 = arith.constant 2 : i32
        %mul3A_267 = arith.muli %mul3A_266, %scan3A_180 : i32
        %add3A_268 = arith.constant 2 : i32
        %add3A_269 = arith.addi %mul3A_267, %add3A_268 : i32
        %mul3A_270 = arith.constant 10000 : i32
        %mul3A_271 = arith.muli %add3A_269, %mul3A_270 : i32
        %dma_start3A_272 = arith.constant 0 : i32
        %dma_start3A_273 = arith.constant 0 : i32
        %dma_start3A_274 = tpu.memref_slice %arg13[%dma_start3A_272, %dma_start3A_273] : memref<2x10000xi32, #tpu.memory_space<vmem>> -> memref<1x10000xi32, #tpu.memory_space<vmem>>
        %dma_start3A_275 = tpu.memref_squeeze %dma_start3A_274 : memref<1x10000xi32, #tpu.memory_space<vmem>> -> memref<10000xi32, #tpu.memory_space<vmem>>
        %dma_start3A_276 = tpu.memref_slice %arg3[%mul3A_271] : memref<320000xi32, #tpu.memory_space<hbm>> -> memref<10000xi32, #tpu.memory_space<hbm>>
        %dma_start3A_277 = arith.constant 0 : i32
        %dma_start3A_278 = tpu.memref_slice %arg13[%dma_start3A_272, %dma_start3A_277] : memref<2x10000xi32, #tpu.memory_space<vmem>> -> memref<1x10000xi32, #tpu.memory_space<vmem>>
        %dma_start3A_279 = tpu.memref_squeeze %dma_start3A_278 : memref<1x10000xi32, #tpu.memory_space<vmem>> -> memref<10000xi32, #tpu.memory_space<vmem>>
        %dma_start3A_280 = tpu.memref_slice %arg3[%mul3A_271] : memref<320000xi32, #tpu.memory_space<hbm>> -> memref<10000xi32, #tpu.memory_space<hbm>>
        tpu.enqueue_dma source(%dma_start3A_280 : memref<10000xi32, #tpu.memory_space<hbm>>) target(%dma_start3A_279 : memref<10000xi32, #tpu.memory_space<vmem>>) target_semaphore(%arg15 : memref<!tpu.dma_semaphore, #tpu.memory_space<semaphore_mem>>)
        %dma_start3A_281 = arith.constant 0 : i32
        %dma_start3A_282 = arith.constant 0 : i32
        %dma_start3A_283 = tpu.memref_slice %arg14[%dma_start3A_281, %dma_start3A_282] : memref<2x10000xf32, #tpu.memory_space<vmem>> -> memref<1x10000xf32, #tpu.memory_space<vmem>>
        %dma_start3A_284 = tpu.memref_squeeze %dma_start3A_283 : memref<1x10000xf32, #tpu.memory_space<vmem>> -> memref<10000xf32, #tpu.memory_space<vmem>>
        %dma_start3A_285 = tpu.memref_slice %arg4[%mul3A_271] : memref<320000xf32, #tpu.memory_space<hbm>> -> memref<10000xf32, #tpu.memory_space<hbm>>
        %dma_start3A_286 = arith.constant 0 : i32
        %dma_start3A_287 = tpu.memref_slice %arg14[%dma_start3A_281, %dma_start3A_286] : memref<2x10000xf32, #tpu.memory_space<vmem>> -> memref<1x10000xf32, #tpu.memory_space<vmem>>
        %dma_start3A_288 = tpu.memref_squeeze %dma_start3A_287 : memref<1x10000xf32, #tpu.memory_space<vmem>> -> memref<10000xf32, #tpu.memory_space<vmem>>
        %dma_start3A_289 = tpu.memref_slice %arg4[%mul3A_271] : memref<320000xf32, #tpu.memory_space<hbm>> -> memref<10000xf32, #tpu.memory_space<hbm>>
        tpu.enqueue_dma source(%dma_start3A_289 : memref<10000xf32, #tpu.memory_space<hbm>>) target(%dma_start3A_288 : memref<10000xf32, #tpu.memory_space<vmem>>) target_semaphore(%arg15 : memref<!tpu.dma_semaphore, #tpu.memory_space<semaphore_mem>>)
      } else {
      }
      %dma_wait3A_238 = arith.constant 1 : i32
      %dma_wait3A_239 = arith.constant 0 : i32
      %dma_wait3A_240 = tpu.memref_slice %arg13[%dma_wait3A_238, %dma_wait3A_239] : memref<2x10000xi32, #tpu.memory_space<vmem>> -> memref<1x10000xi32, #tpu.memory_space<vmem>>
      %dma_wait3A_241 = tpu.memref_squeeze %dma_wait3A_240 : memref<1x10000xi32, #tpu.memory_space<vmem>> -> memref<10000xi32, #tpu.memory_space<vmem>>
      %dma_wait3A_242 = arith.constant 0 : i32
      %dma_wait3A_243 = tpu.memref_slice %arg3[%dma_wait3A_242] : memref<320000xi32, #tpu.memory_space<hbm>> -> memref<10000xi32, #tpu.memory_space<hbm>>
      %dma_wait3A_244 = arith.constant 0 : i32
      %dma_wait3A_245 = tpu.memref_slice %arg13[%dma_wait3A_238, %dma_wait3A_244] : memref<2x10000xi32, #tpu.memory_space<vmem>> -> memref<1x10000xi32, #tpu.memory_space<vmem>>
      %dma_wait3A_246 = tpu.memref_squeeze %dma_wait3A_245 : memref<1x10000xi32, #tpu.memory_space<vmem>> -> memref<10000xi32, #tpu.memory_space<vmem>>
      %dma_wait3A_247 = arith.constant 0 : i32
      %dma_wait3A_248 = tpu.memref_slice %arg3[%dma_wait3A_247] : memref<320000xi32, #tpu.memory_space<hbm>> -> memref<10000xi32, #tpu.memory_space<hbm>>
      tpu.wait_dma2 semaphore(%arg16 : memref<!tpu.dma_semaphore, #tpu.memory_space<semaphore_mem>>) src(%dma_wait3A_248 : memref<10000xi32, #tpu.memory_space<hbm>>) dst(%dma_wait3A_246 : memref<10000xi32, #tpu.memory_space<vmem>>)
      %dma_wait3A_249 = arith.constant 1 : i32
      %dma_wait3A_250 = arith.constant 0 : i32
      %dma_wait3A_251 = tpu.memref_slice %arg14[%dma_wait3A_249, %dma_wait3A_250] : memref<2x10000xf32, #tpu.memory_space<vmem>> -> memref<1x10000xf32, #tpu.memory_space<vmem>>
      %dma_wait3A_252 = tpu.memref_squeeze %dma_wait3A_251 : memref<1x10000xf32, #tpu.memory_space<vmem>> -> memref<10000xf32, #tpu.memory_space<vmem>>
      %dma_wait3A_253 = arith.constant 0 : i32
      %dma_wait3A_254 = tpu.memref_slice %arg4[%dma_wait3A_253] : memref<320000xf32, #tpu.memory_space<hbm>> -> memref<10000xf32, #tpu.memory_space<hbm>>
      %dma_wait3A_255 = arith.constant 0 : i32
      %dma_wait3A_256 = tpu.memref_slice %arg14[%dma_wait3A_249, %dma_wait3A_255] : memref<2x10000xf32, #tpu.memory_space<vmem>> -> memref<1x10000xf32, #tpu.memory_space<vmem>>
      %dma_wait3A_257 = tpu.memref_squeeze %dma_wait3A_256 : memref<1x10000xf32, #tpu.memory_space<vmem>> -> memref<10000xf32, #tpu.memory_space<vmem>>
      %dma_wait3A_258 = arith.constant 0 : i32
      %dma_wait3A_259 = tpu.memref_slice %arg4[%dma_wait3A_258] : memref<320000xf32, #tpu.memory_space<hbm>> -> memref<10000xf32, #tpu.memory_space<hbm>>
      tpu.wait_dma2 semaphore(%arg16 : memref<!tpu.dma_semaphore, #tpu.memory_space<semaphore_mem>>) src(%dma_wait3A_259 : memref<10000xf32, #tpu.memory_space<hbm>>) dst(%dma_wait3A_257 : memref<10000xf32, #tpu.memory_space<vmem>>)
      %parallel_loop3A_260 = arith.constant 0 : i32
      %parallel_loop3A_261 = arith.constant 10000 : i32
      %parallel_loop3A_262 = arith.constant 16 : i32
      %parallel_loop3A_263 = arith.constant 1 : i32
      %parallel_loop3A_264 = arith.constant 1 : i32
      scf.for %parallel_loop3A_266 = %parallel_loop3A_260 to %parallel_loop3A_261 step %parallel_loop3A_262  : i32 {
        %parallel_loop3A_267 = arith.constant 0 : i32
        %parallel_loop3A_268 = tpu.memref_slice %arg13[%parallel_loop3A_263, %parallel_loop3A_267] : memref<2x10000xi32, #tpu.memory_space<vmem>> -> memref<1x10000xi32, #tpu.memory_space<vmem>>
        %parallel_loop3A_269 = tpu.memref_squeeze %parallel_loop3A_268 : memref<1x10000xi32, #tpu.memory_space<vmem>> -> memref<10000xi32, #tpu.memory_space<vmem>>
        %parallel_loop3A_270 = arith.index_cast %parallel_loop3A_266 : i32 to index
        %parallel_loop3A_271 = tpu.vector_load %parallel_loop3A_269[%parallel_loop3A_270] {strides = array<i32>} : memref<10000xi32, #tpu.memory_space<vmem>>, vector<16xi32>,
        %parallel_loop3A_272 = arith.constant 16383 : i32
        %parallel_loop3A_273 = vector.broadcast %parallel_loop3A_272 : i32 to vector<16xi32>
        %parallel_loop3A_274 = arith.andi %parallel_loop3A_271, %parallel_loop3A_273 : vector<16xi32>
        %parallel_loop3A_275 = arith.constant 14 : i32
        %parallel_loop3A_276 = vector.broadcast %parallel_loop3A_275 : i32 to vector<16xi32>
        %parallel_loop3A_277 = arith.shrsi %parallel_loop3A_271, %parallel_loop3A_276 : vector<16xi32>
        %parallel_loop3A_278 = arith.constant 0 : i32
        %parallel_loop3A_279 = tpu.memref_slice %arg14[%parallel_loop3A_264, %parallel_loop3A_278] : memref<2x10000xf32, #tpu.memory_space<vmem>> -> memref<1x10000xf32, #tpu.memory_space<vmem>>
        %parallel_loop3A_280 = tpu.memref_squeeze %parallel_loop3A_279 : memref<1x10000xf32, #tpu.memory_space<vmem>> -> memref<10000xf32, #tpu.memory_space<vmem>>
        %parallel_loop3A_281 = arith.index_cast %parallel_loop3A_266 : i32 to index
        %parallel_loop3A_282 = tpu.vector_load %parallel_loop3A_280[%parallel_loop3A_281] {strides = array<i32>} : memref<10000xf32, #tpu.memory_space<vmem>>, vector<16xf32>,
        %parallel_loop3A_283 = tpu.vector_load_idx %arg6[%parallel_loop3A_274] : memref<10240xi32, #tpu.memory_space<vmem>>[vector<16xi32>], vector<16xi32>,
        %parallel_loop3A_284 = arith.constant 16 : i32
        %parallel_loop3A_285 = vector.broadcast %parallel_loop3A_284 : i32 to vector<16xi32>
        %parallel_loop3A_286 = arith.shli %parallel_loop3A_283, %parallel_loop3A_285 : vector<16xi32>
        %parallel_loop3A_287 = vector.bitcast %parallel_loop3A_286 : vector<16xi32> to vector<16xf32>
        %parallel_loop3A_288 = arith.constant -65536 : i32
        %parallel_loop3A_289 = vector.broadcast %parallel_loop3A_288 : i32 to vector<16xi32>
        %parallel_loop3A_290 = arith.andi %parallel_loop3A_283, %parallel_loop3A_289 : vector<16xi32>
        %parallel_loop3A_291 = vector.bitcast %parallel_loop3A_290 : vector<16xi32> to vector<16xf32>
        %parallel_loop3A_292 = arith.mulf %parallel_loop3A_287, %parallel_loop3A_282 : vector<16xf32>
        tpu.vector_store_idx %arg8[%parallel_loop3A_277], %parallel_loop3A_292 {add = true} : memref<10240xf32, #tpu.memory_space<vmem>>[vector<16xi32>], vector<16xf32>,
        %parallel_loop3A_293 = arith.mulf %parallel_loop3A_291, %parallel_loop3A_282 : vector<16xf32>
        tpu.vector_store_idx %arg9[%parallel_loop3A_277], %parallel_loop3A_293 {add = true} : memref<10240xf32, #tpu.memory_space<vmem>>[vector<16xi32>], vector<16xf32>,
        %parallel_loop3A_294 = tpu.vector_load_idx %arg7[%parallel_loop3A_274] : memref<10240xi32, #tpu.memory_space<vmem>>[vector<16xi32>], vector<16xi32>,
        %parallel_loop3A_295 = arith.constant 16 : i32
        %parallel_loop3A_296 = vector.broadcast %parallel_loop3A_295 : i32 to vector<16xi32>
        %parallel_loop3A_297 = arith.shli %parallel_loop3A_294, %parallel_loop3A_296 : vector<16xi32>
        %parallel_loop3A_298 = vector.bitcast %parallel_loop3A_297 : vector<16xi32> to vector<16xf32>
        %parallel_loop3A_299 = arith.constant -65536 : i32
        %parallel_loop3A_300 = vector.broadcast %parallel_loop3A_299 : i32 to vector<16xi32>
        %parallel_loop3A_301 = arith.andi %parallel_loop3A_294, %parallel_loop3A_300 : vector<16xi32>
        %parallel_loop3A_302 = vector.bitcast %parallel_loop3A_301 : vector<16xi32> to vector<16xf32>
        %parallel_loop3A_303 = arith.mulf %parallel_loop3A_298, %parallel_loop3A_282 : vector<16xf32>
        tpu.vector_store_idx %arg10[%parallel_loop3A_277], %parallel_loop3A_303 {add = true} : memref<10240xf32, #tpu.memory_space<vmem>>[vector<16xi32>], vector<16xf32>,
        %parallel_loop3A_304 = arith.mulf %parallel_loop3A_302, %parallel_loop3A_282 : vector<16xf32>
        tpu.vector_store_idx %arg11[%parallel_loop3A_277], %parallel_loop3A_304 {add = true} : memref<10240xf32, #tpu.memory_space<vmem>>[vector<16xi32>], vector<16xf32>,
      } {sc.loop_unroll_factor = 8 : i64, sc.parallel_access}
      %scan3A_265 = arith.constant 0 : i32
      scf.yield %scan3A_265 : i32
    }
    %scan3A_39 = arith.constant 16 : i32
    %mul3A_40 = arith.constant 10000 : i32
    %mul3A_41 = arith.muli %add3A, %mul3A_40 : i32
    %add3A_42 = arith.constant 0 : i32
    %add3A_43 = arith.addi %mul3A_41, %add3A_42 : i32
    %dma_start3A_44 = arith.constant 0 : i32
    %dma_start3A_45 = arith.constant 0 : i32
    %dma_start3A_46 = tpu.memref_slice %arg13[%dma_start3A_44, %dma_start3A_45] : memref<2x10000xi32, #tpu.memory_space<vmem>> -> memref<1x10000xi32, #tpu.memory_space<vmem>>
    %dma_start3A_47 = tpu.memref_squeeze %dma_start3A_46 : memref<1x10000xi32, #tpu.memory_space<vmem>> -> memref<10000xi32, #tpu.memory_space<vmem>>
    %dma_start3A_48 = arith.constant 0 : i32
    %dma_start3A_49 = tpu.memref_slice %dma_start3A_47[%dma_start3A_48] : memref<10000xi32, #tpu.memory_space<vmem>> -> memref<10000xi32, #tpu.memory_space<vmem>>
    %dma_start3A_50 = tpu.memref_slice %arg3[%add3A_43] : memref<320000xi32, #tpu.memory_space<hbm>> -> memref<10000xi32, #tpu.memory_space<hbm>>
    %dma_start3A_51 = arith.constant 0 : i32
    %dma_start3A_52 = tpu.memref_slice %arg13[%dma_start3A_44, %dma_start3A_51] : memref<2x10000xi32, #tpu.memory_space<vmem>> -> memref<1x10000xi32, #tpu.memory_space<vmem>>
    %dma_start3A_53 = tpu.memref_squeeze %dma_start3A_52 : memref<1x10000xi32, #tpu.memory_space<vmem>> -> memref<10000xi32, #tpu.memory_space<vmem>>
    %dma_start3A_54 = arith.constant 0 : i32
    %dma_start3A_55 = tpu.memref_slice %dma_start3A_53[%dma_start3A_54] : memref<10000xi32, #tpu.memory_space<vmem>> -> memref<10000xi32, #tpu.memory_space<vmem>>
    %dma_start3A_56 = tpu.memref_slice %arg3[%add3A_43] : memref<320000xi32, #tpu.memory_space<hbm>> -> memref<10000xi32, #tpu.memory_space<hbm>>
    tpu.enqueue_dma source(%dma_start3A_56 : memref<10000xi32, #tpu.memory_space<hbm>>) target(%dma_start3A_55 : memref<10000xi32, #tpu.memory_space<vmem>>) target_semaphore(%arg15 : memref<!tpu.dma_semaphore, #tpu.memory_space<semaphore_mem>>)
    %mul3A_57 = arith.constant 10000 : i32
    %mul3A_58 = arith.muli %add3A, %mul3A_57 : i32
    %add3A_59 = arith.constant 0 : i32
    %add3A_60 = arith.addi %mul3A_58, %add3A_59 : i32
    %dma_start3A_61 = arith.constant 0 : i32
    %dma_start3A_62 = arith.constant 0 : i32
    %dma_start3A_63 = tpu.memref_slice %arg14[%dma_start3A_61, %dma_start3A_62] : memref<2x10000xf32, #tpu.memory_space<vmem>> -> memref<1x10000xf32, #tpu.memory_space<vmem>>
    %dma_start3A_64 = tpu.memref_squeeze %dma_start3A_63 : memref<1x10000xf32, #tpu.memory_space<vmem>> -> memref<10000xf32, #tpu.memory_space<vmem>>
    %dma_start3A_65 = arith.constant 0 : i32
    %dma_start3A_66 = tpu.memref_slice %dma_start3A_64[%dma_start3A_65] : memref<10000xf32, #tpu.memory_space<vmem>> -> memref<10000xf32, #tpu.memory_space<vmem>>
    %dma_start3A_67 = tpu.memref_slice %arg4[%add3A_60] : memref<320000xf32, #tpu.memory_space<hbm>> -> memref<10000xf32, #tpu.memory_space<hbm>>
    %dma_start3A_68 = arith.constant 0 : i32
    %dma_start3A_69 = tpu.memref_slice %arg14[%dma_start3A_61, %dma_start3A_68] : memref<2x10000xf32, #tpu.memory_space<vmem>> -> memref<1x10000xf32, #tpu.memory_space<vmem>>
    %dma_start3A_70 = tpu.memref_squeeze %dma_start3A_69 : memref<1x10000xf32, #tpu.memory_space<vmem>> -> memref<10000xf32, #tpu.memory_space<vmem>>
    %dma_start3A_71 = arith.constant 0 : i32
    %dma_start3A_72 = tpu.memref_slice %dma_start3A_70[%dma_start3A_71] : memref<10000xf32, #tpu.memory_space<vmem>> -> memref<10000xf32, #tpu.memory_space<vmem>>
    %dma_start3A_73 = tpu.memref_slice %arg4[%add3A_60] : memref<320000xf32, #tpu.memory_space<hbm>> -> memref<10000xf32, #tpu.memory_space<hbm>>
    tpu.enqueue_dma source(%dma_start3A_73 : memref<10000xf32, #tpu.memory_space<hbm>>) target(%dma_start3A_72 : memref<10000xf32, #tpu.memory_space<vmem>>) target_semaphore(%arg16 : memref<!tpu.dma_semaphore, #tpu.memory_space<semaphore_mem>>)
    %dma_wait3A = arith.constant 0 : i32
    %dma_wait3A_74 = arith.constant 0 : i32
    %dma_wait3A_75 = tpu.memref_slice %arg13[%dma_wait3A, %dma_wait3A_74] : memref<2x10000xi32, #tpu.memory_space<vmem>> -> memref<1x10000xi32, #tpu.memory_space<vmem>>
    %dma_wait3A_76 = tpu.memref_squeeze %dma_wait3A_75 : memref<1x10000xi32, #tpu.memory_space<vmem>> -> memref<10000xi32, #tpu.memory_space<vmem>>
    %dma_wait3A_77 = arith.constant 0 : i32
    %dma_wait3A_78 = tpu.memref_slice %dma_wait3A_76[%dma_wait3A_77] : memref<10000xi32, #tpu.memory_space<vmem>> -> memref<10000xi32, #tpu.memory_space<vmem>>
    %dma_wait3A_79 = tpu.memref_slice %arg3[%add3A_43] : memref<320000xi32, #tpu.memory_space<hbm>> -> memref<10000xi32, #tpu.memory_space<hbm>>
    %dma_wait3A_80 = arith.constant 0 : i32
    %dma_wait3A_81 = tpu.memref_slice %arg13[%dma_wait3A, %dma_wait3A_80] : memref<2x10000xi32, #tpu.memory_space<vmem>> -> memref<1x10000xi32, #tpu.memory_space<vmem>>
    %dma_wait3A_82 = tpu.memref_squeeze %dma_wait3A_81 : memref<1x10000xi32, #tpu.memory_space<vmem>> -> memref<10000xi32, #tpu.memory_space<vmem>>
    %dma_wait3A_83 = arith.constant 0 : i32
    %dma_wait3A_84 = tpu.memref_slice %dma_wait3A_82[%dma_wait3A_83] : memref<10000xi32, #tpu.memory_space<vmem>> -> memref<10000xi32, #tpu.memory_space<vmem>>
    %dma_wait3A_85 = tpu.memref_slice %arg3[%add3A_43] : memref<320000xi32, #tpu.memory_space<hbm>> -> memref<10000xi32, #tpu.memory_space<hbm>>
    tpu.wait_dma2 semaphore(%arg15 : memref<!tpu.dma_semaphore, #tpu.memory_space<semaphore_mem>>) src(%dma_wait3A_85 : memref<10000xi32, #tpu.memory_space<hbm>>) dst(%dma_wait3A_84 : memref<10000xi32, #tpu.memory_space<vmem>>)
    %dma_wait3A_86 = arith.constant 0 : i32
    %dma_wait3A_87 = arith.constant 0 : i32
    %dma_wait3A_88 = tpu.memref_slice %arg14[%dma_wait3A_86, %dma_wait3A_87] : memref<2x10000xf32, #tpu.memory_space<vmem>> -> memref<1x10000xf32, #tpu.memory_space<vmem>>
    %dma_wait3A_89 = tpu.memref_squeeze %dma_wait3A_88 : memref<1x10000xf32, #tpu.memory_space<vmem>> -> memref<10000xf32, #tpu.memory_space<vmem>>
    %dma_wait3A_90 = arith.constant 0 : i32
    %dma_wait3A_91 = tpu.memref_slice %dma_wait3A_89[%dma_wait3A_90] : memref<10000xf32, #tpu.memory_space<vmem>> -> memref<10000xf32, #tpu.memory_space<vmem>>
    %dma_wait3A_92 = tpu.memref_slice %arg4[%add3A_60] : memref<320000xf32, #tpu.memory_space<hbm>> -> memref<10000xf32, #tpu.memory_space<hbm>>
    %dma_wait3A_93 = arith.constant 0 : i32
    %dma_wait3A_94 = tpu.memref_slice %arg14[%dma_wait3A_86, %dma_wait3A_93] : memref<2x10000xf32, #tpu.memory_space<vmem>> -> memref<1x10000xf32, #tpu.memory_space<vmem>>
    %dma_wait3A_95 = tpu.memref_squeeze %dma_wait3A_94 : memref<1x10000xf32, #tpu.memory_space<vmem>> -> memref<10000xf32, #tpu.memory_space<vmem>>
    %dma_wait3A_96 = arith.constant 0 : i32
    %dma_wait3A_97 = tpu.memref_slice %dma_wait3A_95[%dma_wait3A_96] : memref<10000xf32, #tpu.memory_space<vmem>> -> memref<10000xf32, #tpu.memory_space<vmem>>
    %dma_wait3A_98 = tpu.memref_slice %arg4[%add3A_60] : memref<320000xf32, #tpu.memory_space<hbm>> -> memref<10000xf32, #tpu.memory_space<hbm>>
    tpu.wait_dma2 semaphore(%arg16 : memref<!tpu.dma_semaphore, #tpu.memory_space<semaphore_mem>>) src(%dma_wait3A_98 : memref<10000xf32, #tpu.memory_space<hbm>>) dst(%dma_wait3A_97 : memref<10000xf32, #tpu.memory_space<vmem>>)
    %parallel_loop3A_99 = arith.constant 0 : i32
    %parallel_loop3A_100 = arith.constant 10000 : i32
    %parallel_loop3A_101 = arith.constant 16 : i32
    %parallel_loop3A_102 = arith.constant 0 : i32
    %parallel_loop3A_103 = arith.constant 0 : i32
    scf.for %parallel_loop3A_180 = %parallel_loop3A_99 to %parallel_loop3A_100 step %parallel_loop3A_101  : i32 {
      %parallel_loop3A_181 = arith.constant 0 : i32
      %parallel_loop3A_182 = tpu.memref_slice %arg13[%parallel_loop3A_102, %parallel_loop3A_181] : memref<2x10000xi32, #tpu.memory_space<vmem>> -> memref<1x10000xi32, #tpu.memory_space<vmem>>
      %parallel_loop3A_183 = tpu.memref_squeeze %parallel_loop3A_182 : memref<1x10000xi32, #tpu.memory_space<vmem>> -> memref<10000xi32, #tpu.memory_space<vmem>>
      %parallel_loop3A_184 = arith.index_cast %parallel_loop3A_180 : i32 to index
      %parallel_loop3A_185 = tpu.vector_load %parallel_loop3A_183[%parallel_loop3A_184] {strides = array<i32>} : memref<10000xi32, #tpu.memory_space<vmem>>, vector<16xi32>,
      %parallel_loop3A_186 = arith.constant 14 : i32
      %parallel_loop3A_187 = vector.broadcast %parallel_loop3A_186 : i32 to vector<16xi32>
      %parallel_loop3A_188 = arith.shrsi %parallel_loop3A_185, %parallel_loop3A_187 : vector<16xi32>
      %parallel_loop3A_189 = arith.constant 0 : i32
      %parallel_loop3A_190 = tpu.memref_slice %arg14[%parallel_loop3A_103, %parallel_loop3A_189] : memref<2x10000xf32, #tpu.memory_space<vmem>> -> memref<1x10000xf32, #tpu.memory_space<vmem>>
      %parallel_loop3A_191 = tpu.memref_squeeze %parallel_loop3A_190 : memref<1x10000xf32, #tpu.memory_space<vmem>> -> memref<10000xf32, #tpu.memory_space<vmem>>
      %parallel_loop3A_192 = arith.index_cast %parallel_loop3A_180 : i32 to index
      %parallel_loop3A_193 = tpu.vector_load %parallel_loop3A_191[%parallel_loop3A_192] {strides = array<i32>} : memref<10000xf32, #tpu.memory_space<vmem>>, vector<16xf32>,
      tpu.vector_store_idx %arg12[%parallel_loop3A_188], %parallel_loop3A_193 {add = true} : memref<10240xf32, #tpu.memory_space<vmem>>[vector<16xi32>], vector<16xf32>,
    } {sc.loop_unroll_factor = 8 : i64, sc.parallel_access}
    %mul3A_104 = arith.constant 2 : i32
    %mul3A_105 = arith.muli %mul3A_104, %add3A : i32
    %dma_start3A_106 = arith.constant 0 : i32
    %dma_start3A_107 = tpu.memref_slice %arg5[%mul3A_105, %dma_start3A_106] : memref<160x10240xf32, #tpu.memory_space<hbm>> -> memref<1x10240xf32, #tpu.memory_space<hbm>>
    %dma_start3A_108 = tpu.memref_squeeze %dma_start3A_107 : memref<1x10240xf32, #tpu.memory_space<hbm>> -> memref<10240xf32, #tpu.memory_space<hbm>>
    %dma_start3A_109 = arith.constant 0 : i32
    %dma_start3A_110 = tpu.memref_slice %arg5[%mul3A_105, %dma_start3A_109] : memref<160x10240xf32, #tpu.memory_space<hbm>> -> memref<1x10240xf32, #tpu.memory_space<hbm>>
    %dma_start3A_111 = tpu.memref_squeeze %dma_start3A_110 : memref<1x10240xf32, #tpu.memory_space<hbm>> -> memref<10240xf32, #tpu.memory_space<hbm>>
    tpu.enqueue_dma source(%arg8 : memref<10240xf32, #tpu.memory_space<vmem>>) target(%dma_start3A_111 : memref<10240xf32, #tpu.memory_space<hbm>>) target_semaphore(%arg15 : memref<!tpu.dma_semaphore, #tpu.memory_space<semaphore_mem>>)
    %mul3A_112 = arith.constant 2 : i32
    %mul3A_113 = arith.muli %mul3A_112, %add3A : i32
    %add3A_114 = arith.constant 64 : i32
    %add3A_115 = arith.addi %mul3A_113, %add3A_114 : i32
    %dma_start3A_116 = arith.constant 0 : i32
    %dma_start3A_117 = tpu.memref_slice %arg5[%add3A_115, %dma_start3A_116] : memref<160x10240xf32, #tpu.memory_space<hbm>> -> memref<1x10240xf32, #tpu.memory_space<hbm>>
    %dma_start3A_118 = tpu.memref_squeeze %dma_start3A_117 : memref<1x10240xf32, #tpu.memory_space<hbm>> -> memref<10240xf32, #tpu.memory_space<hbm>>
    %dma_start3A_119 = arith.constant 0 : i32
    %dma_start3A_120 = tpu.memref_slice %arg5[%add3A_115, %dma_start3A_119] : memref<160x10240xf32, #tpu.memory_space<hbm>> -> memref<1x10240xf32, #tpu.memory_space<hbm>>
    %dma_start3A_121 = tpu.memref_squeeze %dma_start3A_120 : memref<1x10240xf32, #tpu.memory_space<hbm>> -> memref<10240xf32, #tpu.memory_space<hbm>>
    tpu.enqueue_dma source(%arg9 : memref<10240xf32, #tpu.memory_space<vmem>>) target(%dma_start3A_121 : memref<10240xf32, #tpu.memory_space<hbm>>) target_semaphore(%arg15 : memref<!tpu.dma_semaphore, #tpu.memory_space<semaphore_mem>>)
    %mul3A_122 = arith.constant 2 : i32
    %mul3A_123 = arith.muli %mul3A_122, %add3A : i32
    %add3A_124 = arith.constant 1 : i32
    %add3A_125 = arith.addi %mul3A_123, %add3A_124 : i32
    %dma_start3A_126 = arith.constant 0 : i32
    %dma_start3A_127 = tpu.memref_slice %arg5[%add3A_125, %dma_start3A_126] : memref<160x10240xf32, #tpu.memory_space<hbm>> -> memref<1x10240xf32, #tpu.memory_space<hbm>>
    %dma_start3A_128 = tpu.memref_squeeze %dma_start3A_127 : memref<1x10240xf32, #tpu.memory_space<hbm>> -> memref<10240xf32, #tpu.memory_space<hbm>>
    %dma_start3A_129 = arith.constant 0 : i32
    %dma_start3A_130 = tpu.memref_slice %arg5[%add3A_125, %dma_start3A_129] : memref<160x10240xf32, #tpu.memory_space<hbm>> -> memref<1x10240xf32, #tpu.memory_space<hbm>>
    %dma_start3A_131 = tpu.memref_squeeze %dma_start3A_130 : memref<1x10240xf32, #tpu.memory_space<hbm>> -> memref<10240xf32, #tpu.memory_space<hbm>>
    tpu.enqueue_dma source(%arg10 : memref<10240xf32, #tpu.memory_space<vmem>>) target(%dma_start3A_131 : memref<10240xf32, #tpu.memory_space<hbm>>) target_semaphore(%arg15 : memref<!tpu.dma_semaphore, #tpu.memory_space<semaphore_mem>>)
    %mul3A_132 = arith.constant 2 : i32
    %mul3A_133 = arith.muli %mul3A_132, %add3A : i32
    %add3A_134 = arith.constant 65 : i32
    %add3A_135 = arith.addi %mul3A_133, %add3A_134 : i32
    %dma_start3A_136 = arith.constant 0 : i32
    %dma_start3A_137 = tpu.memref_slice %arg5[%add3A_135, %dma_start3A_136] : memref<160x10240xf32, #tpu.memory_space<hbm>> -> memref<1x10240xf32, #tpu.memory_space<hbm>>
    %dma_start3A_138 = tpu.memref_squeeze %dma_start3A_137 : memref<1x10240xf32, #tpu.memory_space<hbm>> -> memref<10240xf32, #tpu.memory_space<hbm>>
    %dma_start3A_139 = arith.constant 0 : i32
    %dma_start3A_140 = tpu.memref_slice %arg5[%add3A_135, %dma_start3A_139] : memref<160x10240xf32, #tpu.memory_space<hbm>> -> memref<1x10240xf32, #tpu.memory_space<hbm>>
    %dma_start3A_141 = tpu.memref_squeeze %dma_start3A_140 : memref<1x10240xf32, #tpu.memory_space<hbm>> -> memref<10240xf32, #tpu.memory_space<hbm>>
    tpu.enqueue_dma source(%arg11 : memref<10240xf32, #tpu.memory_space<vmem>>) target(%dma_start3A_141 : memref<10240xf32, #tpu.memory_space<hbm>>) target_semaphore(%arg15 : memref<!tpu.dma_semaphore, #tpu.memory_space<semaphore_mem>>)
    %add3A_142 = arith.constant 128 : i32
    %add3A_143 = arith.addi %add3A_142, %add3A : i32
    %dma_start3A_144 = arith.constant 0 : i32
    %dma_start3A_145 = tpu.memref_slice %arg5[%add3A_143, %dma_start3A_144] : memref<160x10240xf32, #tpu.memory_space<hbm>> -> memref<1x10240xf32, #tpu.memory_space<hbm>>
    %dma_start3A_146 = tpu.memref_squeeze %dma_start3A_145 : memref<1x10240xf32, #tpu.memory_space<hbm>> -> memref<10240xf32, #tpu.memory_space<hbm>>
    %dma_start3A_147 = arith.constant 0 : i32
    %dma_start3A_148 = tpu.memref_slice %arg5[%add3A_143, %dma_start3A_147] : memref<160x10240xf32, #tpu.memory_space<hbm>> -> memref<1x10240xf32, #tpu.memory_space<hbm>>
    %dma_start3A_149 = tpu.memref_squeeze %dma_start3A_148 : memref<1x10240xf32, #tpu.memory_space<hbm>> -> memref<10240xf32, #tpu.memory_space<hbm>>
    tpu.enqueue_dma source(%arg12 : memref<10240xf32, #tpu.memory_space<vmem>>) target(%dma_start3A_149 : memref<10240xf32, #tpu.memory_space<hbm>>) target_semaphore(%arg15 : memref<!tpu.dma_semaphore, #tpu.memory_space<semaphore_mem>>)
    %dma_wait3A_150 = arith.constant 0 : i32
    %dma_wait3A_151 = tpu.memref_slice %arg5[%mul3A_105, %dma_wait3A_150] : memref<160x10240xf32, #tpu.memory_space<hbm>> -> memref<1x10240xf32, #tpu.memory_space<hbm>>
    %dma_wait3A_152 = tpu.memref_squeeze %dma_wait3A_151 : memref<1x10240xf32, #tpu.memory_space<hbm>> -> memref<10240xf32, #tpu.memory_space<hbm>>
    %dma_wait3A_153 = arith.constant 0 : i32
    %dma_wait3A_154 = tpu.memref_slice %arg5[%mul3A_105, %dma_wait3A_153] : memref<160x10240xf32, #tpu.memory_space<hbm>> -> memref<1x10240xf32, #tpu.memory_space<hbm>>
    %dma_wait3A_155 = tpu.memref_squeeze %dma_wait3A_154 : memref<1x10240xf32, #tpu.memory_space<hbm>> -> memref<10240xf32, #tpu.memory_space<hbm>>
    tpu.wait_dma2 semaphore(%arg15 : memref<!tpu.dma_semaphore, #tpu.memory_space<semaphore_mem>>) src(%arg8 : memref<10240xf32, #tpu.memory_space<vmem>>) dst(%dma_wait3A_155 : memref<10240xf32, #tpu.memory_space<hbm>>)
    %dma_wait3A_156 = arith.constant 0 : i32
    %dma_wait3A_157 = tpu.memref_slice %arg5[%add3A_115, %dma_wait3A_156] : memref<160x10240xf32, #tpu.memory_space<hbm>> -> memref<1x10240xf32, #tpu.memory_space<hbm>>
    %dma_wait3A_158 = tpu.memref_squeeze %dma_wait3A_157 : memref<1x10240xf32, #tpu.memory_space<hbm>> -> memref<10240xf32, #tpu.memory_space<hbm>>
    %dma_wait3A_159 = arith.constant 0 : i32
    %dma_wait3A_160 = tpu.memref_slice %arg5[%add3A_115, %dma_wait3A_159] : memref<160x10240xf32, #tpu.memory_space<hbm>> -> memref<1x10240xf32, #tpu.memory_space<hbm>>
    %dma_wait3A_161 = tpu.memref_squeeze %dma_wait3A_160 : memref<1x10240xf32, #tpu.memory_space<hbm>> -> memref<10240xf32, #tpu.memory_space<hbm>>
    tpu.wait_dma2 semaphore(%arg15 : memref<!tpu.dma_semaphore, #tpu.memory_space<semaphore_mem>>) src(%arg9 : memref<10240xf32, #tpu.memory_space<vmem>>) dst(%dma_wait3A_161 : memref<10240xf32, #tpu.memory_space<hbm>>)
    %dma_wait3A_162 = arith.constant 0 : i32
    %dma_wait3A_163 = tpu.memref_slice %arg5[%add3A_125, %dma_wait3A_162] : memref<160x10240xf32, #tpu.memory_space<hbm>> -> memref<1x10240xf32, #tpu.memory_space<hbm>>
    %dma_wait3A_164 = tpu.memref_squeeze %dma_wait3A_163 : memref<1x10240xf32, #tpu.memory_space<hbm>> -> memref<10240xf32, #tpu.memory_space<hbm>>
    %dma_wait3A_165 = arith.constant 0 : i32
    %dma_wait3A_166 = tpu.memref_slice %arg5[%add3A_125, %dma_wait3A_165] : memref<160x10240xf32, #tpu.memory_space<hbm>> -> memref<1x10240xf32, #tpu.memory_space<hbm>>
    %dma_wait3A_167 = tpu.memref_squeeze %dma_wait3A_166 : memref<1x10240xf32, #tpu.memory_space<hbm>> -> memref<10240xf32, #tpu.memory_space<hbm>>
    tpu.wait_dma2 semaphore(%arg15 : memref<!tpu.dma_semaphore, #tpu.memory_space<semaphore_mem>>) src(%arg10 : memref<10240xf32, #tpu.memory_space<vmem>>) dst(%dma_wait3A_167 : memref<10240xf32, #tpu.memory_space<hbm>>)
    %dma_wait3A_168 = arith.constant 0 : i32
    %dma_wait3A_169 = tpu.memref_slice %arg5[%add3A_135, %dma_wait3A_168] : memref<160x10240xf32, #tpu.memory_space<hbm>> -> memref<1x10240xf32, #tpu.memory_space<hbm>>
    %dma_wait3A_170 = tpu.memref_squeeze %dma_wait3A_169 : memref<1x10240xf32, #tpu.memory_space<hbm>> -> memref<10240xf32, #tpu.memory_space<hbm>>
    %dma_wait3A_171 = arith.constant 0 : i32
    %dma_wait3A_172 = tpu.memref_slice %arg5[%add3A_135, %dma_wait3A_171] : memref<160x10240xf32, #tpu.memory_space<hbm>> -> memref<1x10240xf32, #tpu.memory_space<hbm>>
    %dma_wait3A_173 = tpu.memref_squeeze %dma_wait3A_172 : memref<1x10240xf32, #tpu.memory_space<hbm>> -> memref<10240xf32, #tpu.memory_space<hbm>>
    tpu.wait_dma2 semaphore(%arg15 : memref<!tpu.dma_semaphore, #tpu.memory_space<semaphore_mem>>) src(%arg11 : memref<10240xf32, #tpu.memory_space<vmem>>) dst(%dma_wait3A_173 : memref<10240xf32, #tpu.memory_space<hbm>>)
    %dma_wait3A_174 = arith.constant 0 : i32
    %dma_wait3A_175 = tpu.memref_slice %arg5[%add3A_143, %dma_wait3A_174] : memref<160x10240xf32, #tpu.memory_space<hbm>> -> memref<1x10240xf32, #tpu.memory_space<hbm>>
    %dma_wait3A_176 = tpu.memref_squeeze %dma_wait3A_175 : memref<1x10240xf32, #tpu.memory_space<hbm>> -> memref<10240xf32, #tpu.memory_space<hbm>>
    %dma_wait3A_177 = arith.constant 0 : i32
    %dma_wait3A_178 = tpu.memref_slice %arg5[%add3A_143, %dma_wait3A_177] : memref<160x10240xf32, #tpu.memory_space<hbm>> -> memref<1x10240xf32, #tpu.memory_space<hbm>>
    %dma_wait3A_179 = tpu.memref_squeeze %dma_wait3A_178 : memref<1x10240xf32, #tpu.memory_space<hbm>> -> memref<10240xf32, #tpu.memory_space<hbm>>
    tpu.wait_dma2 semaphore(%arg15 : memref<!tpu.dma_semaphore, #tpu.memory_space<semaphore_mem>>) src(%arg12 : memref<10240xf32, #tpu.memory_space<vmem>>) dst(%dma_wait3A_179 : memref<10240xf32, #tpu.memory_space<hbm>>)
    return
  }
}

module attributes {stable_mosaic.version = 14 : i64} {
  func.func @body(%arg0: i32, %arg1: memref<1024x128xf32, #tpu.memory_space<vmem>>, %arg2: memref<1024x1xi32, #tpu.memory_space<vmem>>, %arg3: memref<128x128xf32, #tpu.memory_space<vmem>>, %arg4: memref<128x128xf32, #tpu.memory_space<vmem>>, %arg5: memref<200x160xi32, #tpu.memory_space<vmem>>, %arg6: memref<200x160xi32, #tpu.memory_space<vmem>>, %arg7: memref<1024x128xf32, #tpu.memory_space<vmem>>, %arg8: memref<64x1024xi32, #tpu.memory_space<vmem>>, %arg9: memref<200x160xi32, #tpu.memory_space<vmem>>) attributes {dimension_semantics = [#tpu.dimension_semantics<arbitrary>], iteration_bounds = array<i64: 10>, scalar_prefetch = 0 : i64, scratch_operands = 0 : i64, tpu.core_type = #tpu.core_type<tc>, window_params = [{transform_indices = @transform_0, window_bounds = array<i64: 1024, 128>}, {transform_indices = @transform_1, window_bounds = array<i64: 1024, 1>}, {pipeline_mode = #tpu.pipeline_mode<synchronous>, transform_indices = @transform_2, window_bounds = array<i64: 128, 128>}, {pipeline_mode = #tpu.pipeline_mode<synchronous>, transform_indices = @transform_3, window_bounds = array<i64: 128, 128>}, {transform_indices = @transform_4, window_bounds = array<i64: 200, 160>}, {transform_indices = @transform_5, window_bounds = array<i64: 200, 160>}, {transform_indices = @transform_6, window_bounds = array<i64: 1024, 128>}, {transform_indices = @transform_7, window_bounds = array<i64: 64, 1024>}, {transform_indices = @transform_8, window_bounds = array<i64: 200, 160>}]} {
    %get3A = arith.constant 0 : index
    %get3A_0 = arith.constant 0 : index
    %get3A_1 = vector.load %arg2[%get3A, %get3A_0] : memref<1024x1xi32, #tpu.memory_space<vmem>>, vector<1024x1xi32>
    %ne3A = arith.constant 0 : i32
    %ne3A_2 = vector.broadcast %ne3A : i32 to vector<1024x1xi32>
    %ne3A_3 = arith.cmpi ne, %get3A_1, %ne3A_2 : vector<1024x1xi32>
    %convert_element_type3A = arith.extui %ne3A_3 : vector<1024x1xi1> to vector<1024x1xi32>
    %convert_element_type3A_4 = arith.sitofp %convert_element_type3A : vector<1024x1xi32> to vector<1024x1xf32>
    %get3A_5 = arith.constant 0 : index
    %get3A_6 = arith.constant 0 : index
    %get3A_7 = vector.load %arg1[%get3A_5, %get3A_6] : memref<1024x128xf32, #tpu.memory_space<vmem>>, vector<1024x128xf32>
    %mul3A = vector.broadcast %convert_element_type3A_4 : vector<1024x1xf32> to vector<1024x128xf32>
    %mul3A_8 = arith.mulf %get3A_7, %mul3A : vector<1024x128xf32>
    %get3A_9 = arith.constant 0 : index
    %get3A_10 = arith.constant 0 : index
    %get3A_11 = vector.load %arg3[%get3A_9, %get3A_10] : memref<128x128xf32, #tpu.memory_space<vmem>>, vector<128x128xf32>
    %dot_general3A = arith.constant dense<0.000000e+00> : vector<1024x128xf32>
    %dot_general3A_12 = tpu.matmul %mul3A_8, %get3A_11, %dot_general3A {dimension_numbers = #tpu.dot_dimension_numbers<[1], [0], [0], [1], [0, 0, 1, 1], [], []>, transpose_lhs_hint = false} : vector<1024x128xf32>, vector<128x128xf32>, vector<1024x128xf32> -> vector<1024x128xf32>
    %tanh3A = math.tanh %dot_general3A_12 : vector<1024x128xf32>
    %swap3A = arith.constant 0 : index
    %swap3A_13 = arith.constant 0 : index
    %swap3A_14 = vector.load %arg7[%swap3A, %swap3A_13] : memref<1024x128xf32, #tpu.memory_space<vmem>>, vector<1024x128xf32>
    tpu.vector_store %arg7[%swap3A, %swap3A_13], %tanh3A {strides = array<i32>} : memref<1024x128xf32, #tpu.memory_space<vmem>>, vector<1024x128xf32>,
    %get3A_15 = arith.constant 0 : index
    %get3A_16 = arith.constant 0 : index
    %get3A_17 = vector.load %arg4[%get3A_15, %get3A_16] : memref<128x128xf32, #tpu.memory_space<vmem>>, vector<128x128xf32>
    %dot_general3A_18 = arith.constant dense<0.000000e+00> : vector<1024x128xf32>
    %dot_general3A_19 = tpu.matmul %tanh3A, %get3A_17, %dot_general3A_18 {dimension_numbers = #tpu.dot_dimension_numbers<[1], [0], [0], [1], [0, 0, 1, 1], [], []>, transpose_lhs_hint = false} : vector<1024x128xf32>, vector<128x128xf32>, vector<1024x128xf32> -> vector<1024x128xf32>
    %bitcast_convert_type3A = tpu.bitcast %dot_general3A_19 : vector<1024x128xf32> -> vector<1024x128xi32>
    %add3A = arith.constant 32767 : i32
    %add3A_20 = vector.broadcast %add3A : i32 to vector<1024x128xi32>
    %add3A_21 = arith.addi %bitcast_convert_type3A, %add3A_20 : vector<1024x128xi32>
    %shift_right_arithmetic3A = arith.constant 16 : i32
    %shift_right_arithmetic3A_22 = vector.broadcast %shift_right_arithmetic3A : i32 to vector<1024x128xi32>
    %shift_right_arithmetic3A_23 = arith.shrsi %bitcast_convert_type3A, %shift_right_arithmetic3A_22 : vector<1024x128xi32>
    %and3A = arith.constant 1 : i32
    %and3A_24 = vector.broadcast %and3A : i32 to vector<1024x128xi32>
    %and3A_25 = arith.andi %shift_right_arithmetic3A_23, %and3A_24 : vector<1024x128xi32>
    %add3A_26 = arith.addi %add3A_21, %and3A_25 : vector<1024x128xi32>
    %shift_right_arithmetic3A_27 = arith.constant 16 : i32
    %shift_right_arithmetic3A_28 = vector.broadcast %shift_right_arithmetic3A_27 : i32 to vector<1024x128xi32>
    %shift_right_arithmetic3A_29 = arith.shrsi %add3A_26, %shift_right_arithmetic3A_28 : vector<1024x128xi32>
    %slice3A = vector.extract_strided_slice %shift_right_arithmetic3A_29 {offsets = [0, 0], sizes = [1024, 64], strides = [1, 1]} : vector<1024x128xi32> to vector<1024x64xi32>
    %and3A_30 = arith.constant 65535 : i32
    %and3A_31 = vector.broadcast %and3A_30 : i32 to vector<1024x64xi32>
    %and3A_32 = arith.andi %slice3A, %and3A_31 : vector<1024x64xi32>
    %slice3A_33 = vector.extract_strided_slice %shift_right_arithmetic3A_29 {offsets = [0, 64], sizes = [1024, 64], strides = [1, 1]} : vector<1024x128xi32> to vector<1024x64xi32>
    %shift_left3A = arith.constant 16 : i32
    %shift_left3A_34 = vector.broadcast %shift_left3A : i32 to vector<1024x64xi32>
    %shift_left3A_35 = arith.shli %slice3A_33, %shift_left3A_34 : vector<1024x64xi32>
    %or3A = arith.ori %and3A_32, %shift_left3A_35 : vector<1024x64xi32>
    %transpose3A = tpu.transpose %or3A, [1, 0] : vector<1024x64xi32> -> vector<64x1024xi32>
    %swap3A_36 = arith.constant 0 : index
    %swap3A_37 = arith.constant 0 : index
    %swap3A_38 = vector.load %arg8[%swap3A_36, %swap3A_37] : memref<64x1024xi32, #tpu.memory_space<vmem>>, vector<64x1024xi32>
    tpu.vector_store %arg8[%swap3A_36, %swap3A_37], %transpose3A {strides = array<i32>} : memref<64x1024xi32, #tpu.memory_space<vmem>>, vector<64x1024xi32>,
    %get3A_39 = arith.constant 0 : index
    %get3A_40 = arith.constant 0 : index
    %get3A_41 = vector.load %arg5[%get3A_39, %get3A_40] : memref<200x160xi32, #tpu.memory_space<vmem>>, vector<200x160xi32>
    %get3A_42 = arith.constant 0 : index
    %get3A_43 = arith.constant 0 : index
    %get3A_44 = vector.load %arg6[%get3A_42, %get3A_43] : memref<200x160xi32, #tpu.memory_space<vmem>>, vector<200x160xi32>
    %shift_left3A_45 = arith.constant 14 : i32
    %shift_left3A_46 = vector.broadcast %shift_left3A_45 : i32 to vector<200x160xi32>
    %shift_left3A_47 = arith.shli %get3A_44, %shift_left3A_46 : vector<200x160xi32>
    %or3A_48 = arith.ori %get3A_41, %shift_left3A_47 : vector<200x160xi32>
    %swap3A_49 = arith.constant 0 : index
    %swap3A_50 = arith.constant 0 : index
    %swap3A_51 = vector.load %arg9[%swap3A_49, %swap3A_50] : memref<200x160xi32, #tpu.memory_space<vmem>>, vector<200x160xi32>
    tpu.vector_store %arg9[%swap3A_49, %swap3A_50], %or3A_48 {strides = array<i32>} : memref<200x160xi32, #tpu.memory_space<vmem>>, vector<200x160xi32>,
    return
  }
  func.func @transform_0(%arg0: i32) -> (i32, i32) {
    %c0_i32 = arith.constant 0 : i32
    %c0_i32_0 = arith.constant 0 : i32
    return %arg0, %c0_i32 : i32, i32
  }
  func.func @transform_1(%arg0: i32) -> (i32, i32) {
    %c0_i32 = arith.constant 0 : i32
    %c0_i32_0 = arith.constant 0 : i32
    return %arg0, %c0_i32 : i32, i32
  }
  func.func @transform_2(%arg0: i32) -> (i32, i32) {
    %c0_i32 = arith.constant 0 : i32
    %c0_i32_0 = arith.constant 0 : i32
    %c0_i32_1 = arith.constant 0 : i32
    return %c0_i32, %c0_i32_0 : i32, i32
  }
  func.func @transform_3(%arg0: i32) -> (i32, i32) {
    %c0_i32 = arith.constant 0 : i32
    %c0_i32_0 = arith.constant 0 : i32
    %c0_i32_1 = arith.constant 0 : i32
    return %c0_i32, %c0_i32_0 : i32, i32
  }
  func.func @transform_4(%arg0: i32) -> (i32, i32) {
    %c0_i32 = arith.constant 0 : i32
    %c0_i32_0 = arith.constant 0 : i32
    return %arg0, %c0_i32 : i32, i32
  }
  func.func @transform_5(%arg0: i32) -> (i32, i32) {
    %c0_i32 = arith.constant 0 : i32
    %c0_i32_0 = arith.constant 0 : i32
    return %arg0, %c0_i32 : i32, i32
  }
  func.func @transform_6(%arg0: i32) -> (i32, i32) {
    %c0_i32 = arith.constant 0 : i32
    %c0_i32_0 = arith.constant 0 : i32
    return %arg0, %c0_i32 : i32, i32
  }
  func.func @transform_7(%arg0: i32) -> (i32, i32) {
    %c0_i32 = arith.constant 0 : i32
    %c0_i32_0 = arith.constant 0 : i32
    return %c0_i32, %arg0 : i32, i32
  }
  func.func @transform_8(%arg0: i32) -> (i32, i32) {
    %c0_i32 = arith.constant 0 : i32
    %c0_i32_0 = arith.constant 0 : i32
    return %arg0, %c0_i32 : i32, i32
  }
}

module attributes {stable_mosaic.version = 14 : i64} {
  func.func @body(%arg0: i32, %arg1: memref<160x1024xf32, #tpu.memory_space<vmem>>, %arg2: memref<1024x128xf32, #tpu.memory_space<vmem>>, %arg3: memref<1024x1xi32, #tpu.memory_space<vmem>>, %arg4: memref<128x128xf32, #tpu.memory_space<vmem>>, %arg5: memref<1x128xf32, #tpu.memory_space<vmem>>, %arg6: memref<1024x128xf32, #tpu.memory_space<vmem>>, %arg7: memref<1x128xf32, #tpu.memory_space<vmem>>, %arg8: memref<1x1xf32, #tpu.memory_space<vmem>>) attributes {dimension_semantics = [#tpu.dimension_semantics<arbitrary>], iteration_bounds = array<i64: 10>, scalar_prefetch = 0 : i64, scratch_operands = 0 : i64, tpu.core_type = #tpu.core_type<tc>, window_params = [{transform_indices = @transform_0, window_bounds = array<i64: 160, 1024>}, {transform_indices = @transform_1, window_bounds = array<i64: 1024, 128>}, {transform_indices = @transform_2, window_bounds = array<i64: 1024, 1>}, {pipeline_mode = #tpu.pipeline_mode<synchronous>, transform_indices = @transform_3, window_bounds = array<i64: 128, 128>}, {pipeline_mode = #tpu.pipeline_mode<synchronous>, transform_indices = @transform_4, window_bounds = array<i64: 1, 128>}, {transform_indices = @transform_5, window_bounds = array<i64: 1024, 128>}, {pipeline_mode = #tpu.pipeline_mode<synchronous>, transform_indices = @transform_6, window_bounds = array<i64: 1, 128>}, {pipeline_mode = #tpu.pipeline_mode<synchronous>, transform_indices = @transform_7, window_bounds = array<i64: 1, 1>}]} {
    %get3A = arith.constant 0 : index
    %get3A_0 = arith.constant 0 : index
    %get3A_1 = vector.load %arg1[%get3A, %get3A_0] : memref<160x1024xf32, #tpu.memory_space<vmem>>, vector<160x1024xf32>
    %slice3A = vector.extract_strided_slice %get3A_1 {offsets = [128, 0], sizes = [32, 1024], strides = [1, 1]} : vector<160x1024xf32> to vector<32x1024xf32>
    %reduce_sum3A = arith.constant dense<0.000000e+00> : vector<1024xf32>
    %reduce_sum3A_2 = vector.multi_reduction <add>, %slice3A, %reduce_sum3A [0] : vector<32x1024xf32> to vector<1024xf32>
    %slice3A_3 = vector.extract_strided_slice %get3A_1 {offsets = [0, 0], sizes = [128, 1024], strides = [1, 1]} : vector<160x1024xf32> to vector<128x1024xf32>
    %transpose3A = tpu.transpose %slice3A_3, [1, 0] : vector<128x1024xf32> -> vector<1024x128xf32>
    %get3A_4 = arith.constant 0 : index
    %get3A_5 = arith.constant 0 : index
    %get3A_6 = vector.load %arg3[%get3A_4, %get3A_5] : memref<1024x1xi32, #tpu.memory_space<vmem>>, vector<1024x1xi32>
    %ne3A = arith.constant 0 : i32
    %ne3A_7 = vector.broadcast %ne3A : i32 to vector<1024x1xi32>
    %ne3A_8 = arith.cmpi ne, %get3A_6, %ne3A_7 : vector<1024x1xi32>
    %convert_element_type3A = arith.extui %ne3A_8 : vector<1024x1xi1> to vector<1024x1xi32>
    %convert_element_type3A_9 = arith.sitofp %convert_element_type3A : vector<1024x1xi32> to vector<1024x1xf32>
    %broadcast_in_dim3A = vector.shape_cast %reduce_sum3A_2 : vector<1024xf32> to vector<1024x1xf32>
    %add3A = arith.constant 9.99999997E-7 : f32
    %add3A_10 = vector.broadcast %add3A : f32 to vector<1024x1xf32>
    %add3A_11 = arith.addf %broadcast_in_dim3A, %add3A_10 : vector<1024x1xf32>
    %div3A = vector.broadcast %add3A_11 : vector<1024x1xf32> to vector<1024x128xf32>
    %div3A_12 = arith.divf %transpose3A, %div3A : vector<1024x128xf32>
    %get3A_13 = arith.constant 0 : index
    %get3A_14 = arith.constant 0 : index
    %get3A_15 = vector.load %arg2[%get3A_13, %get3A_14] : memref<1024x128xf32, #tpu.memory_space<vmem>>, vector<1024x128xf32>
    %get3A_16 = arith.constant 0 : index
    %get3A_17 = arith.constant 0 : index
    %get3A_18 = vector.load %arg4[%get3A_16, %get3A_17] : memref<128x128xf32, #tpu.memory_space<vmem>>, vector<128x128xf32>
    %dot_general3A = arith.constant dense<0.000000e+00> : vector<1024x128xf32>
    %dot_general3A_19 = tpu.matmul %get3A_15, %get3A_18, %dot_general3A {dimension_numbers = #tpu.dot_dimension_numbers<[1], [0], [0], [1], [0, 0, 1, 1], [], []>, transpose_lhs_hint = false} : vector<1024x128xf32>, vector<128x128xf32>, vector<1024x128xf32> -> vector<1024x128xf32>
    %add3A_20 = arith.addf %div3A_12, %dot_general3A_19 : vector<1024x128xf32>
    %get3A_21 = arith.constant 0 : index
    %get3A_22 = arith.constant 0 : index
    %get3A_23 = vector.load %arg5[%get3A_21, %get3A_22] : memref<1x128xf32, #tpu.memory_space<vmem>>, vector<1x128xf32>
    %add3A_24 = vector.broadcast %get3A_23 : vector<1x128xf32> to vector<1024x128xf32>
    %add3A_25 = arith.addf %add3A_20, %add3A_24 : vector<1024x128xf32>
    %tanh3A = math.tanh %add3A_25 : vector<1024x128xf32>
    %mul3A = vector.broadcast %convert_element_type3A_9 : vector<1024x1xf32> to vector<1024x128xf32>
    %mul3A_26 = arith.mulf %tanh3A, %mul3A : vector<1024x128xf32>
    %swap3A = arith.constant 0 : index
    %swap3A_27 = arith.constant 0 : index
    %swap3A_28 = vector.load %arg6[%swap3A, %swap3A_27] : memref<1024x128xf32, #tpu.memory_space<vmem>>, vector<1024x128xf32>
    tpu.vector_store %arg6[%swap3A, %swap3A_27], %mul3A_26 {strides = array<i32>} : memref<1024x128xf32, #tpu.memory_space<vmem>>, vector<1024x128xf32>,
    %reduce_sum3A_29 = arith.constant dense<0.000000e+00> : vector<128xf32>
    %reduce_sum3A_30 = vector.multi_reduction <add>, %mul3A_26, %reduce_sum3A_29 [0] : vector<1024x128xf32> to vector<128xf32>
    %broadcast_in_dim3A_31 = vector.shape_cast %reduce_sum3A_30 : vector<128xf32> to vector<1x128xf32>
    %reduce_sum3A_32 = vector.shape_cast %convert_element_type3A_9 : vector<1024x1xf32> to vector<1x1024x1xf32>
    %reduce_sum3A_33 = arith.constant dense<0.000000e+00> : vector<1xf32>
    %reduce_sum3A_34 = vector.multi_reduction <add>, %reduce_sum3A_32, %reduce_sum3A_33 [1, 2] : vector<1x1024x1xf32> to vector<1xf32>
    %reduce_sum3A_35 = vector.shape_cast %reduce_sum3A_34 : vector<1xf32> to vector<1x1x1xf32>
    %reduce_sum3A_36 = vector.extract %reduce_sum3A_35[0, 0, 0] : f32 from vector<1x1x1xf32>
    %broadcast_in_dim3A_37 = vector.broadcast %reduce_sum3A_36 : f32 to vector<1x1xf32>
    %eq3A = arith.constant 0 : i32
    %eq3A_38 = arith.cmpi eq, %arg0, %eq3A : i32
    %convert_element_type3A_39 = arith.extui %eq3A_38 : i1 to i32
    %cond3A = arith.constant 0 : i32
    %cond3A_40 = arith.cmpi ne, %convert_element_type3A_39, %cond3A : i32
    scf.if %cond3A_40 {
      %swap3A_46 = arith.constant 0 : index
      %swap3A_47 = arith.constant 0 : index
      %swap3A_48 = vector.load %arg7[%swap3A_46, %swap3A_47] : memref<1x128xf32, #tpu.memory_space<vmem>>, vector<1x128xf32>
      tpu.vector_store %arg7[%swap3A_46, %swap3A_47], %broadcast_in_dim3A_31 {strides = array<i32>} : memref<1x128xf32, #tpu.memory_space<vmem>>, vector<1x128xf32>,
      %swap3A_49 = arith.constant 0 : index
      %swap3A_50 = arith.constant 0 : index
      %swap3A_51 = vector.load %arg8[%swap3A_49, %swap3A_50] : memref<1x1xf32, #tpu.memory_space<vmem>>, vector<1x1xf32>
      tpu.vector_store %arg8[%swap3A_49, %swap3A_50], %broadcast_in_dim3A_37 {strides = array<i32>} : memref<1x1xf32, #tpu.memory_space<vmem>>, vector<1x1xf32>,
    } else {
    }
    %ne3A_41 = arith.constant 0 : i32
    %ne3A_42 = arith.cmpi ne, %arg0, %ne3A_41 : i32
    %convert_element_type3A_43 = arith.extui %ne3A_42 : i1 to i32
    %cond3A_44 = arith.constant 0 : i32
    %cond3A_45 = arith.cmpi ne, %convert_element_type3A_43, %cond3A_44 : i32
    scf.if %cond3A_45 {
      %get3A_46 = arith.constant 0 : index
      %get3A_47 = arith.constant 0 : index
      %get3A_48 = vector.load %arg7[%get3A_46, %get3A_47] : memref<1x128xf32, #tpu.memory_space<vmem>>, vector<1x128xf32>
      %add3A_49 = arith.addf %get3A_48, %broadcast_in_dim3A_31 : vector<1x128xf32>
      %swap3A_50 = arith.constant 0 : index
      %swap3A_51 = arith.constant 0 : index
      %swap3A_52 = vector.load %arg7[%swap3A_50, %swap3A_51] : memref<1x128xf32, #tpu.memory_space<vmem>>, vector<1x128xf32>
      tpu.vector_store %arg7[%swap3A_50, %swap3A_51], %add3A_49 {strides = array<i32>} : memref<1x128xf32, #tpu.memory_space<vmem>>, vector<1x128xf32>,
      %get3A_53 = arith.constant 0 : index
      %get3A_54 = arith.constant 0 : index
      %get3A_55 = vector.load %arg8[%get3A_53, %get3A_54] : memref<1x1xf32, #tpu.memory_space<vmem>>, vector<1x1xf32>
      %add3A_56 = arith.addf %get3A_55, %broadcast_in_dim3A_37 : vector<1x1xf32>
      %swap3A_57 = arith.constant 0 : index
      %swap3A_58 = arith.constant 0 : index
      %swap3A_59 = vector.load %arg8[%swap3A_57, %swap3A_58] : memref<1x1xf32, #tpu.memory_space<vmem>>, vector<1x1xf32>
      tpu.vector_store %arg8[%swap3A_57, %swap3A_58], %add3A_56 {strides = array<i32>} : memref<1x1xf32, #tpu.memory_space<vmem>>, vector<1x1xf32>,
    } else {
    }
    return
  }
  func.func @transform_0(%arg0: i32) -> (i32, i32) {
    %c0_i32 = arith.constant 0 : i32
    %c0_i32_0 = arith.constant 0 : i32
    return %c0_i32, %arg0 : i32, i32
  }
  func.func @transform_1(%arg0: i32) -> (i32, i32) {
    %c0_i32 = arith.constant 0 : i32
    %c0_i32_0 = arith.constant 0 : i32
    return %arg0, %c0_i32 : i32, i32
  }
  func.func @transform_2(%arg0: i32) -> (i32, i32) {
    %c0_i32 = arith.constant 0 : i32
    %c0_i32_0 = arith.constant 0 : i32
    return %arg0, %c0_i32 : i32, i32
  }
  func.func @transform_3(%arg0: i32) -> (i32, i32) {
    %c0_i32 = arith.constant 0 : i32
    %c0_i32_0 = arith.constant 0 : i32
    %c0_i32_1 = arith.constant 0 : i32
    return %c0_i32, %c0_i32_0 : i32, i32
  }
  func.func @transform_4(%arg0: i32) -> (i32, i32) {
    %c0_i32 = arith.constant 0 : i32
    %c0_i32_0 = arith.constant 0 : i32
    %c0_i32_1 = arith.constant 0 : i32
    return %c0_i32, %c0_i32_0 : i32, i32
  }
  func.func @transform_5(%arg0: i32) -> (i32, i32) {
    %c0_i32 = arith.constant 0 : i32
    %c0_i32_0 = arith.constant 0 : i32
    return %arg0, %c0_i32 : i32, i32
  }
  func.func @transform_6(%arg0: i32) -> (i32, i32) {
    %c0_i32 = arith.constant 0 : i32
    %c0_i32_0 = arith.constant 0 : i32
    %c0_i32_1 = arith.constant 0 : i32
    return %c0_i32, %c0_i32_0 : i32, i32
  }
  func.func @transform_7(%arg0: i32) -> (i32, i32) {
    %c0_i32 = arith.constant 0 : i32
    %c0_i32_0 = arith.constant 0 : i32
    %c0_i32_1 = arith.constant 0 : i32
    return %c0_i32, %c0_i32_0 : i32, i32
  }
}

</mosaic_0001>

<sc_bundles>
// kernel: kernel.6.cloned.1.call-start
scs
__scs_entry_jumppad:
0x0: {  	(pc) =	sbr.rel $0x88, $3  }
0x1: {  	(tag) =	ssettag $0x0;
	lr =	simm.s32 $0x1  }
0x2: {  	[smem:$0x3F99] =	sst lr;
	_ =	strace $0xD0000000  }
0x3: {  	_ = 	snop  }
0x4: {  	_ = 	snop  }
0x5: {  	_ = 	snop  }
0x6: {  	_ = 	snop  }
0x7: {  	_ = 	snop  }
__scs_overlays_trampoline_lowered:
0x8: {  	[smem:$0x3FA8] =	sst s0  }
0x9: {  	[smem:$0x3FA9] =	sst s1  }
0xa: {  	[smem:$0x3FAA] =	sst s2  }
0xb: {  	[smem:$0x3FAB] =	sst s3  }
0xc: {  	[smem:$0x3FAC] =	sst s4  }
0xd: {  	[smem:$0x3FAD] =	sst s5  }
0xe: {  	[smem:$0x3FAE] =	sst s6  }
0xf: {  	[smem:$0x3FAF] =	sst s7  }
0x10: {  	[smem:$0x3FB0] =	sst s8  }
0x11: {  	[smem:$0x3FB1] =	sst s9;
	s0 =	simm.s32 @!p0 $0x0  }
0x12: {  	s1 =	sld [smem:$0x3F97];
	s0 =	simm.s32 @p0 $0x1  }
0x13: {  	[smem:$0x3FB2] =	sst s0;
	s0 =	simm.s32 @!p1 $0x0  }
0x14: {  	s2 =	sld [smem:$0x3F96];
	s0 =	simm.s32 @p1 $0x1  }
0x15: {  	[smem:$0x3FB3] =	sst s0;
	s0 =	simm.s32 @!p2 $0x0  }
0x16: {  	s3 =	sld [smem:$0x3FDB];
	s0 =	simm.s32 @p2 $0x1  }
0x17: {  	s4 =	simm.s32 $0x1BF5;
	[smem:$0x3FB5] =	sst s0  }
0x18: {  	s0 =	sld [smem:$0x3F98];
	_ =	swait.ge [sflag:s4], $0x0  }
0x19: {  	s7 =	sld [smem:$0x3F99]  }
0x1a: {  	s8 =	sadd.s32 $0xFFFFE003, lr  }
0x1b: {  	s9 =	sadd.s32 $0xFFFFFEF7, lr;
	s5 =	simm.s32 $0xFFFFFFFF;
	p2 =	slt.u32 s8, $0xFFFFF086  }
0x1c: {  	p1 =	slt.u32 s9, $0xF7A;
	s5 =	simm.s32 @!p2 $0x0  }
0x1d: {  	s5 =	simm.s32 @p1 $0x1;
	p0 =	seq.s32 s7, s2  }
0x1e: {  	s7 =	smul.u32 @!p0 $0xF7A, s2;
	p2 =	seq.s32 @!p0 s5, $0x0  }
0x1f: {  	s9 =	smul.u32 $0xF7A, s1;
	s8 =	simm.s32 @!p0 $0x1BF5;
	p2 =	por !p2, p0  }
0x20: {  	[sflag:s8] =	ssyncset.s32 @!p0 $0xFFFFF086;
	s6 =	sadd.s32 @!p0 s3, s7;
	s7 =	simm.s32 @!p0 $0x108  }
0x21: {  	s3 =	sadd.s32 s3, s9;
	s6 =	sadd.s32 @!p0 $0x88, s6;
	s7 =	simm.s32 @p2 $0x1082  }
0x22: {  	[simem:s7], [sflag:s8] =	dma.local @!p0 [hbm:s6], $0xF7A  }
0x23: {  	s9 =	sor.u32 $0xD0000000, s2;
	s6 =	simm.s32 $0x108;
	_ =	swait.ge @!p0 [sflag:s8], $0x0  }
0x24: {  	s3 =	sadd.s32 $0x88, s3;
	s6 =	simm.s32 @!p1 $0x1082;
	[sflag:s4] =	ssyncset.s32 $0xFFFFF086  }
0x25: {  	[simem:s6], [sflag:s4] =	dma.local [hbm:s3], $0xF7A  }
0x26: {  	[smem:$0x3F99] =	sst s1;
	(tag) =	ssettag s2;
	_ =	strace s9  }
0x27: {  	s1 =	sld [smem:$0x3FA9]  }
0x28: {  	s2 =	sld [smem:$0x3FAA]  }
0x29: {  	s4 =	sld [smem:$0x3FAC]  }
0x2a: {  	p0 =	seq.s32 s5, $0x0;
	s5 =	sld [smem:$0x3FAD]  }
0x2b: {  	s6 =	sld [smem:$0x3FAE]  }
0x2c: {  	s7 =	sld [smem:$0x3FAF]  }
0x2d: {  	s3 =	simm.s32 $0x108;
	s8 =	sld [smem:$0x3FB0]  }
0x2e: {  	s3 =	simm.s32 @!p0 $0x1082;
	s9 =	sld [smem:$0x3FB1]  }
0x2f: {  	lr =	sadd.s32 s0, s3;
	s0 =	sld [smem:$0x3FA8]  }
0x30: {  	s3 =	sld [smem:$0x3FAB]  }
0x31: {  	[smem:$0x3FB4] =	sst s10  }
0x32: {  	s10 =	sld [smem:$0x3FB2];
	_ =	sdelay $0x3  }
0x33: {  	p0 =	seq.s32 s10, $0x1;
	s10 =	sld [smem:$0x3FB4];
	_ =	sdelay $0x3  }
0x34: {  	[smem:$0x3FB4] =	sst s10  }
0x35: {  	s10 =	sld [smem:$0x3FB3];
	_ =	sdelay $0x3  }
0x36: {  	p1 =	seq.s32 s10, $0x1;
	s10 =	sld [smem:$0x3FB4];
	_ =	sdelay $0x3  }
0x37: {  	[smem:$0x3FB4] =	sst s10  }
0x38: {  	s10 =	sld [smem:$0x3FB5]  }
0x39: {  	_ = 	snop;
	(pc) =	sbr.ind lr, $3  }
0x3a: {  	_ = 	snop  }
0x3b: {  	_ = 	snop  }
0x3c: {  	p2 =	seq.s32 s10, $0x1;
	s10 =	sld [smem:$0x3FB4]  }
0x3d: {  	_ =	shalt  }
0x3e: {  	_ =	shalt  }
0x3f: {  	_ =	shalt  }
0x40: {  	_ =	shalt  }
0x41: {  	_ =	shalt  }
0x42: {  	_ =	shalt  }
0x43: {  	_ =	shalt  }
0x44: {  	_ =	shalt  }
0x45: {  	_ =	shalt  }
0x46: {  	_ =	shalt  }
0x47: {  	_ =	shalt  }
0x48: {  	_ =	shalt  }
0x49: {  	_ =	shalt  }
0x4a: {  	_ =	shalt  }
0x4b: {  	_ =	shalt  }
0x4c: {  	_ =	shalt  }
0x4d: {  	_ =	shalt  }
0x4e: {  	_ =	shalt  }
0x4f: {  	_ =	shalt  }
0x50: {  	_ =	shalt  }
0x51: {  	_ =	shalt  }
0x52: {  	_ =	shalt  }
0x53: {  	_ =	shalt  }
0x54: {  	_ =	shalt  }
0x55: {  	_ =	shalt  }
0x56: {  	_ =	shalt  }
0x57: {  	_ =	shalt  }
0x58: {  	_ =	shalt  }
0x59: {  	_ =	shalt  }
0x5a: {  	_ =	shalt  }
0x5b: {  	_ =	shalt  }
0x5c: {  	_ =	shalt  }
0x5d: {  	_ =	shalt  }
0x5e: {  	_ =	shalt  }
0x5f: {  	_ =	shalt  }
0x60: {  	_ =	shalt  }
0x61: {  	_ =	shalt  }
0x62: {  	_ =	shalt  }
0x63: {  	_ =	shalt  }
0x64: {  	_ =	shalt  }
0x65: {  	_ =	shalt  }
0x66: {  	_ =	shalt  }
0x67: {  	_ =	shalt  }
0x68: {  	_ =	shalt  }
0x69: {  	_ =	shalt  }
0x6a: {  	_ =	shalt  }
0x6b: {  	_ =	shalt  }
0x6c: {  	_ =	shalt  }
0x6d: {  	_ =	shalt  }
0x6e: {  	_ =	shalt  }
0x6f: {  	_ =	shalt  }
0x70: {  	_ =	shalt  }
0x71: {  	_ =	shalt  }
0x72: {  	_ =	shalt  }
0x73: {  	_ =	shalt  }
0x74: {  	_ =	shalt  }
0x75: {  	_ =	shalt  }
0x76: {  	_ =	shalt  }
0x77: {  	_ =	shalt  }
0x78: {  	_ =	shalt  }
0x79: {  	_ =	shalt  }
0x7a: {  	_ =	shalt  }
0x7b: {  	_ =	shalt  }
0x7c: {  	_ =	shalt  }
0x7d: {  	_ =	shalt  }
0x7e: {  	_ =	shalt  }
0x7f: {  	_ =	shalt  }
0x80: {  	_ =	shalt  }
0x81: {  	_ =	shalt  }
0x82: {  	_ =	shalt  }
0x83: {  	_ =	shalt  }
0x84: {  	_ =	shalt  }
0x85: {  	_ =	shalt  }
0x86: {  	_ =	shalt  }
0x87: {  	_ =	shalt  }
.Lfunc_end0:
.L_simem_size_0:
called_computation_lowered:
.L_overlay_start_0:
0x88: {  	s2 =	sld [smem:$0x3FD9]  }
0x89: {  	s3 =	sld [smem:$0x3FFE];
	_ =	sdelay $0x1  }
0x8a: {  	s1 =	srdreg.scid  }
0x8b: {  	s0 =	sand.u32 $0x1, s1  }
0x8c: {  	s14 =	sshll.u32 s0, $0xA;
	s2 =	sadd.s32 s3, s2  }
0x8d: {  	s2 =	sadd.s32 s2, s14  }
0x8e: {  	[smem:$0x3FC0] =	sst s2  }
0x8f: {  	_ = 	snop  }
0x90: {  	s2 =	sld [smem:$0x3FD0];
	_ =	sdelay $0x2  }
0x91: {  	s4 =	simm.s32 $0xA;
	s5 =	simm.s32 $0x10;
	s15 =	sld [smem:$0x3FC6]  }
0x92: {  	[smem:s5], [sflag:s4] =	dma.local [hbm:s2], $0x1  }
0x93: {  	_ =	swait.eq [sflag:s4], $0x1  }
0x94: {  	[sflag:s4] =	ssyncset.done $0x0  }
0x95: {  	[sflag:s4] =	ssyncadd.s32 $0xFFFFFFFF  }
0x96: {  	s16 =	sld [smem:$0x10];
	(tm) =	ssettm $0x1  }
0x97: {  	s17 =	sld [smem:$0x3FFB];
	_ =	sdelay $0x3  }
0x98: {  	_ =	strace s17  }
0x99: {  	s4 =	sld [smem:$0x3FFC];
	_ =	sdelay $0x3  }
0x9a: {  	_ =	strace s4  }
0x9b: {  	s4 =	sld [smem:$0x3FFD];
	_ =	sdelay $0x3  }
0x9c: {  	_ =	strace s4  }
0x9d: {  	_ =	strace $0x8FFFFFFF  }
0x9e: {  	s18 =	sld [smem:$0x3FDB];
	_ =	sdelay $0x1  }
0x9f: {  	s19 =	simm.s32 $_scs_section_size  }
0xa0: {  	s6 =	simm.s32 $_size__tile_overlayer_lowered;
	s7 =	simm.s32 $_tile_overlayer_lowered  }
0xa1: {  	s22 =	simm.s32 $0x1BFF;
	s21 =	sshll.u32 s7, $0x1;
	s4 =	sadd.s32 s19, s18  }
0xa2: {  	s8 =	simm.s32 $0x0;
	s20 =	sshll.u32 s6, $0x1;
	s6 =	sadd.s32 s21, s4  }
0xa3: {  	[timem:s8], [sflag:s22] =	dma.local [hbm:s6], s20  }
0xa4: {  	_ =	swait.ge [sflag:s22], s20  }
0xa5: {  	s5 =	ssub.s32 $0x0, s20;
	[sflag:s22] =	ssyncset.done $0x0  }
0xa6: {  	[sflag:s22] =	ssyncadd.s32 s5;
	_ =	sdelay $0x1  }
0xa7: {  	s23 =	simm.s32 $0x1B8B  }
0xa8: {  	_ =	swait.ge [sflag:s23], $0x1  }
0xa9: {  	[sflag:s23] =	ssyncset.done $0x0  }
0xaa: {  	s25 =	simm.s32 $0x1B8E;
	s24 =	sld [smem:$0x3FFE];
	[sflag:s23] =	ssyncadd.s32 $0xFFFFFFFF  }
0xab: {  	s26 =	simm.s32 $execute0_lowered;
	[smem:$0x3FD2] =	sst s25  }
0xac: {  	s6 =	sshll.u32 s26, $0x1;
	_ =	strace $0x80000046;
	[dreg:$0x1] =	wrdreg $0xFFFFFFFF  }
0xad: {  	s28 =	simm.s32 $_size_execute0_lowered;
	s4 =	sadd.s32 s4, s6;
	[dreg:$0x0] =	wrdreg $0x0  }
0xae: {  	s6 =	sshll.u32 s28, $0x1;
	[dreg:$0x2] =	wrdreg s4  }
0xaf: {  	[dreg:$0x3] =	wrdreg s6  }
0xb0: {  	[dreg:$0x4] =	wrdreg $0xC0  }
0xb1: {  	_ =	task [dreg:s8], $0x5FFFF  }
0xb2: {  	[dreg:$0x1] =	wrdreg $0xFFFFFFFF  }
0xb3: {  	[dreg:$0x0] =	wrdreg $0x60  }
0xb4: {  	[dreg:$0x2] =	wrdreg s15  }
0xb5: {  	[dreg:$0x3] =	wrdreg s16  }
0xb6: {  	[dreg:$0x4] =	wrdreg s24  }
0xb7: {  	[dreg:$0x5] =	wrdreg $0x9  }
0xb8: {  	_ =	task.clear_ibuf [dreg:s8], $0x6FFFF;
	_ =	strace $0x90000046  }
0xb9: {  	s29 =	simm.s32 $0x9;
	_ =	strace $0x80000048  }
0xba: {  	_ =	swait.ge [sflag:s29], $0x1  }
0xbb: {  	[sflag:s29] =	ssyncadd.s32 $0xFFFFFFFF  }
0xbc: {  	_ =	strace $0x90000048  }
0xbd: {  	_ =	sfence  }
0xbe: {  	s30 =	sld [smem:$0x0];
	_ =	sdelay $0x2  }
0xbf: {  	s31 =	sshll.u32 s1, $0xD;
	s1 =	sshrl.u32 s1, $0x2  }
0xc0: {  	s3 =	sand.u32 $0x4000, s31;
	s1 =	sadd.s32 s1, s30  }
0xc1: {  	s0 =	sor.u32 s3, s0;
	s1 =	sshll.u32 s1, $0x11  }
0xc2: {  	s0 =	sor.u32 s1, s0  }
0xc3: {  	s0 =	sadd.s32 $0x8F2B, s0  }
0xc4: {  	[sflag:s0] =	ssyncadd.remote.s32 $0x1  }
0xc5: {  	_ =	sfence.sel $0xFFFF  }
0xc6: {  	[dreg:$0x0] =	wrdreg $0xFFFFFFFF;
	(pc) =	sbr.abs _section_cstart, $3  }
0xc7: {  	[dreg:$0x1] =	wrdreg $0xFFFFFFFF  }
0xc8: {  	_ =	task.clear_ibuf [dreg:s8], $0x2FFFF;
	_ =	strace $0x9FFFFFFF  }
0xc9: {  	(tm) =	ssettm $0x7FFFFFFF  }
tec
execute0_lowered:
.L_overlay_start_1:
0x0: {  	(tag) =	ssettag $0x1  }
0x1: {  	s1 =	rddreg [dreg:$0x0]  }
0x2: {  	s2 =	srdreg.scid;
	s0 =	stileid.u32  }
0x3: {  	s4 =	rddreg [dreg:$0x1];
	s14 =	sand.u32 $0x1, s2;
	s29 =	sshll.u32 s0, $0x1  }
0x4: {  	s15 =	rddreg [dreg:$0x2];
	s16 =	sor.u32 s14, s29  }
0x5: {  	s3 =	simm.s32 $0x0;
	s2 =	rddreg [dreg:$0x3];
	s5 =	smul.u32 $0x28, s16  }
0x6: {  	[smem:$0x7FF] =	sst s3  }
0x7: {  	_ =	strace $0x80000047;
	s5 =	sadd.s32 s4, s5;
	s4 =	simm.s32 $0x2  }
0x8: {  	[tilespmem:s3], [sflag:$0x2] =	stream.linear.gather [hbm4b:s5+s3], $0x140, $0x38;
	[tilespmem:$0xA180] =	vst v63  }
0x9: {  	_ =	swait.ge [sflag:s4], $0x140  }
0xa: {  	[sflag:s4] =	ssyncset.done $0x0  }
0xb: {  	s6 =	simm.s32 $0x50;
	s7 =	simm.s32 $0x180;
	[sflag:s4] =	ssyncadd.s32 $0xFFFFFEC0  }
0xc: {  	[tilespmem:s7], [sflag:$0x1] =	stream.indirect.gather [hbm4b:s1+s6], $0x80, s3, s6, $0xb8;
	[tilespmem:$0xA180] =	vst v63  }
0xd: {  	s8 =	simm.s32 $0x2980  }
0xe: {  	[tilespmem:s8], [sflag:$0x1] =	stream.indirect.gather [hbm4b:s1+s6], $0x80, s6, s6, $0xb8;
	[tilespmem:$0xA180] =	vst v63  }
0xf: {  	s9 =	simm.s32 $0xA0;
	s10 =	simm.s32 $0x5180  }
0x10: {  	[tilespmem:s10], [sflag:$0x1] =	stream.indirect.gather [hbm4b:s1+s6], $0x80, s9, s6, $0xb8;
	[tilespmem:$0xA180] =	vst v63  }
0x11: {  	s11 =	simm.s32 $0xF0;
	s12 =	simm.s32 $0x7980;
	s13 =	simm.s32 $0x1  }
0x12: {  	[tilespmem:s12], [sflag:$0x1] =	stream.indirect.gather [hbm4b:s1+s6], $0x80, s11, s6, $0xb8;
	[tilespmem:$0xA180] =	vst v63  }
0x13: {  	_ =	swait.ge [sflag:s13], $0x2800  }
0x14: {  	[sflag:s13] =	ssyncset.done $0x0  }
0x15: {  	[sflag:s13] =	ssyncadd.s32 $0xFFFFD800  }
0x16: {  	_ =	swait.ge [sflag:s13], $0x2800  }
0x17: {  	[sflag:s13] =	ssyncset.done $0x0  }
0x18: {  	s14 =	ssub.s32 $0x2, s14;
	[sflag:s13] =	ssyncadd.s32 $0xFFFFD800  }
0x19: {  	s17 =	sshrl.u32 s14, $0x1;
	_ =	swait.ge [sflag:s13], $0x2800  }
0x1a: {  	s30 =	ssub.s32 s14, s17;
	[sflag:s13] =	ssyncset.done $0x0  }
0x1b: {  	s16 =	smul.u32 $0x1400, s16;
	s31 =	smax.u32 s30, $0x1;
	[sflag:s13] =	ssyncadd.s32 $0xFFFFD800  }
0x1c: {  	p0 =	sne.s32 s31, $0x1;
	_ =	swait.ge [sflag:s13], $0x2800  }
.Ltmp0:
0x1d: {  	s15 =	sadd.s32 s16, s15;
	[sflag:s13] =	ssyncset.done $0x0;
	(pc) =	sbr.rel @!p0 .LBB2_2-.Ltmp0, $4  }
0x1e: {  	s14 =	sadd.s32 $0x1E00, s15;
	[sflag:s13] =	ssyncadd.s32 $0xFFFFD800  }
0x1f: {  	[hbm4b:s14+s3] =	stream.linear.scatter [tilespmem:s7], [sflag:$0x2], $0xA000, $0x38;
	[tilespmem:$0xA180] =	vst v63  }
0x20: {  	_ =	swait.ge [sflag:s4], $0xA000  }
0x21: {  	s15 =	sadd.s32 $0xFFFFFFFF, s31;
	[sflag:s4] =	ssyncset.done $0x0  }
.LBB2_1:
0x22: {  	p0 =	sne.s32 s15, $0x1;
	s15 =	sadd.s32 $0xFFFFFFFF, s15;
	[sflag:s4] =	ssyncadd.s32 $0xFFFF6000  }
0x23: {  	[tilespmem:s3], [sflag:$0x2] =	stream.linear.gather [hbm4b:s5+s3], $0x140, $0x38;
	[tilespmem:$0xA180] =	vst v63  }
0x24: {  	_ =	swait.ge [sflag:s4], $0x140  }
0x25: {  	[sflag:s4] =	ssyncset.done $0x0  }
0x26: {  	[sflag:s4] =	ssyncadd.s32 $0xFFFFFEC0  }
0x27: {  	[tilespmem:s7], [sflag:$0x1] =	stream.indirect.gather [hbm4b:s1+s6], $0x80, s3, s6, $0xb8;
	[tilespmem:$0xA180] =	vst v63  }
0x28: {  	_ = 	snop  }
0x29: {  	[tilespmem:s8], [sflag:$0x1] =	stream.indirect.gather [hbm4b:s1+s6], $0x80, s6, s6, $0xb8;
	[tilespmem:$0xA180] =	vst v63  }
0x2a: {  	_ = 	snop  }
0x2b: {  	[tilespmem:s10], [sflag:$0x1] =	stream.indirect.gather [hbm4b:s1+s6], $0x80, s9, s6, $0xb8;
	[tilespmem:$0xA180] =	vst v63  }
0x2c: {  	_ = 	snop  }
0x2d: {  	[tilespmem:s12], [sflag:$0x1] =	stream.indirect.gather [hbm4b:s1+s6], $0x80, s11, s6, $0xb8;
	[tilespmem:$0xA180] =	vst v63  }
0x2e: {  	_ =	swait.ge [sflag:s13], $0x2800  }
0x2f: {  	[sflag:s13] =	ssyncset.done $0x0  }
0x30: {  	[sflag:s13] =	ssyncadd.s32 $0xFFFFD800  }
0x31: {  	_ =	swait.ge [sflag:s13], $0x2800  }
0x32: {  	[sflag:s13] =	ssyncset.done $0x0  }
0x33: {  	[sflag:s13] =	ssyncadd.s32 $0xFFFFD800  }
0x34: {  	_ =	swait.ge [sflag:s13], $0x2800  }
0x35: {  	[sflag:s13] =	ssyncset.done $0x0  }
0x36: {  	[sflag:s13] =	ssyncadd.s32 $0xFFFFD800  }
0x37: {  	_ =	swait.ge [sflag:s13], $0x2800  }
.Ltmp1:
0x38: {  	[sflag:s13] =	ssyncset.done $0x0;
	(pc) =	sbr.rel @p0 .LBB2_1-.Ltmp1, $4  }
0x39: {  	[sflag:s13] =	ssyncadd.s32 $0xFFFFD800  }
0x3a: {  	[hbm4b:s14+s3] =	stream.linear.scatter [tilespmem:s7], [sflag:$0x2], $0xA000, $0x38;
	[tilespmem:$0xA180] =	vst v63  }
0x3b: {  	_ =	swait.ge [sflag:s4], $0xA000  }
0x3c: {  	[sflag:s4] =	ssyncset.done $0x0  }
.LBB2_2:
0x3d: {  	[sflag:s4] =	ssyncadd.s32 $0xFFFF6000  }
0x3e: {  	_ =	sfence.sel $0x180000  }
0x3f: {  	[bflag:$0x0] =	sbarrier.arrive $0xFFFF  }
0x40: {  	p0 =	sne.s32 s0, $0x0;
	_ =	strace $0x90000047  }
0x41: {  	s0 =	sadd.s32 @!p0 $0x100000, s2;
	[bflag:$0x2] =	sbarrier.arrive $0xFFFF  }
0x42: {  	[sflag:s0] =	ssyncadd.tile.s32 @!p0 $0x1;
	_ =	shalt  }
.Lfunc_end2:
_tile_overlayer_lowered:
.L_overlay_start_2:
0x43: {  	(tag) =	ssettag $0x2  }
0x44: {  	s0 =	rddreg [dreg:$0x0];
	s2 =	stileid.u32  }
0x45: {  	s1 =	rddreg [dreg:$0x1];
	p0 =	sne.s32 s2, $0x0  }
0x46: {  	s3 =	rddreg [dreg:$0x2];
	[bflag:$0x3] =	sbarrier.arrive $0xFFFF;
	s2 =	simm.s32 @!p0 $0x1C02  }
0x47: {  	[timem:s3], [sflag:s2] =	dma.local @!p0 [hbm:s0], s1  }
0x48: {  	s0 =	simm.s32 @!p0 $0x2  }
0x49: {  	_ =	swait.ge @!p0 [sflag:s0], s1  }
0x4a: {  	s1 =	ssub.s32 @!p0 $0x0, s1;
	[sflag:s0] =	ssyncset.done @!p0 $0x0  }
0x4b: {  	[sflag:s0] =	ssyncadd.s32 @!p0 s1  }
0x4c: {  	[bflag:$0x3] =	sbarrier.arrive $0xFFFF  }
0x4d: {  	_ =	shalt  }

// kernel: kernel.9.cloned.1.call-start
scs
__scs_entry_jumppad:
0x0: {  	(pc) =	sbr.rel $0x88, $3  }
0x1: {  	(tag) =	ssettag $0x0;
	lr =	simm.s32 $0x1  }
0x2: {  	[smem:$0x3F99] =	sst lr;
	_ =	strace $0xD0000000  }
0x3: {  	_ = 	snop  }
0x4: {  	_ = 	snop  }
0x5: {  	_ = 	snop  }
0x6: {  	_ = 	snop  }
0x7: {  	_ = 	snop  }
__scs_overlays_trampoline_lowered:
0x8: {  	[smem:$0x3FA8] =	sst s0  }
0x9: {  	[smem:$0x3FA9] =	sst s1  }
0xa: {  	[smem:$0x3FAA] =	sst s2  }
0xb: {  	[smem:$0x3FAB] =	sst s3  }
0xc: {  	[smem:$0x3FAC] =	sst s4  }
0xd: {  	[smem:$0x3FAD] =	sst s5  }
0xe: {  	[smem:$0x3FAE] =	sst s6  }
0xf: {  	[smem:$0x3FAF] =	sst s7  }
0x10: {  	[smem:$0x3FB0] =	sst s8  }
0x11: {  	[smem:$0x3FB1] =	sst s9;
	s0 =	simm.s32 @!p0 $0x0  }
0x12: {  	s1 =	sld [smem:$0x3F97];
	s0 =	simm.s32 @p0 $0x1  }
0x13: {  	[smem:$0x3FB2] =	sst s0;
	s0 =	simm.s32 @!p1 $0x0  }
0x14: {  	s2 =	sld [smem:$0x3F96];
	s0 =	simm.s32 @p1 $0x1  }
0x15: {  	[smem:$0x3FB3] =	sst s0;
	s0 =	simm.s32 @!p2 $0x0  }
0x16: {  	s3 =	sld [smem:$0x3FDB];
	s0 =	simm.s32 @p2 $0x1  }
0x17: {  	s4 =	simm.s32 $0x1BF5;
	[smem:$0x3FB5] =	sst s0  }
0x18: {  	s0 =	sld [smem:$0x3F98];
	_ =	swait.ge [sflag:s4], $0x0  }
0x19: {  	s7 =	sld [smem:$0x3F99]  }
0x1a: {  	s8 =	sadd.s32 $0xFFFFE003, lr  }
0x1b: {  	s9 =	sadd.s32 $0xFFFFFEF7, lr;
	s5 =	simm.s32 $0xFFFFFFFF;
	p2 =	slt.u32 s8, $0xFFFFF086  }
0x1c: {  	p1 =	slt.u32 s9, $0xF7A;
	s5 =	simm.s32 @!p2 $0x0  }
0x1d: {  	s5 =	simm.s32 @p1 $0x1;
	p0 =	seq.s32 s7, s2  }
0x1e: {  	s7 =	smul.u32 @!p0 $0xF7A, s2;
	p2 =	seq.s32 @!p0 s5, $0x0  }
0x1f: {  	s9 =	smul.u32 $0xF7A, s1;
	s8 =	simm.s32 @!p0 $0x1BF5;
	p2 =	por !p2, p0  }
0x20: {  	[sflag:s8] =	ssyncset.s32 @!p0 $0xFFFFF086;
	s6 =	sadd.s32 @!p0 s3, s7;
	s7 =	simm.s32 @!p0 $0x108  }
0x21: {  	s3 =	sadd.s32 s3, s9;
	s6 =	sadd.s32 @!p0 $0x88, s6;
	s7 =	simm.s32 @p2 $0x1082  }
0x22: {  	[simem:s7], [sflag:s8] =	dma.local @!p0 [hbm:s6], $0xF7A  }
0x23: {  	s9 =	sor.u32 $0xD0000000, s2;
	s6 =	simm.s32 $0x108;
	_ =	swait.ge @!p0 [sflag:s8], $0x0  }
0x24: {  	s3 =	sadd.s32 $0x88, s3;
	s6 =	simm.s32 @!p1 $0x1082;
	[sflag:s4] =	ssyncset.s32 $0xFFFFF086  }
0x25: {  	[simem:s6], [sflag:s4] =	dma.local [hbm:s3], $0xF7A  }
0x26: {  	[smem:$0x3F99] =	sst s1;
	(tag) =	ssettag s2;
	_ =	strace s9  }
0x27: {  	s1 =	sld [smem:$0x3FA9]  }
0x28: {  	s2 =	sld [smem:$0x3FAA]  }
0x29: {  	s4 =	sld [smem:$0x3FAC]  }
0x2a: {  	p0 =	seq.s32 s5, $0x0;
	s5 =	sld [smem:$0x3FAD]  }
0x2b: {  	s6 =	sld [smem:$0x3FAE]  }
0x2c: {  	s7 =	sld [smem:$0x3FAF]  }
0x2d: {  	s3 =	simm.s32 $0x108;
	s8 =	sld [smem:$0x3FB0]  }
0x2e: {  	s3 =	simm.s32 @!p0 $0x1082;
	s9 =	sld [smem:$0x3FB1]  }
0x2f: {  	lr =	sadd.s32 s0, s3;
	s0 =	sld [smem:$0x3FA8]  }
0x30: {  	s3 =	sld [smem:$0x3FAB]  }
0x31: {  	[smem:$0x3FB4] =	sst s10  }
0x32: {  	s10 =	sld [smem:$0x3FB2];
	_ =	sdelay $0x3  }
0x33: {  	p0 =	seq.s32 s10, $0x1;
	s10 =	sld [smem:$0x3FB4];
	_ =	sdelay $0x3  }
0x34: {  	[smem:$0x3FB4] =	sst s10  }
0x35: {  	s10 =	sld [smem:$0x3FB3];
	_ =	sdelay $0x3  }
0x36: {  	p1 =	seq.s32 s10, $0x1;
	s10 =	sld [smem:$0x3FB4];
	_ =	sdelay $0x3  }
0x37: {  	[smem:$0x3FB4] =	sst s10  }
0x38: {  	s10 =	sld [smem:$0x3FB5]  }
0x39: {  	_ = 	snop;
	(pc) =	sbr.ind lr, $3  }
0x3a: {  	_ = 	snop  }
0x3b: {  	_ = 	snop  }
0x3c: {  	p2 =	seq.s32 s10, $0x1;
	s10 =	sld [smem:$0x3FB4]  }
0x3d: {  	_ =	shalt  }
0x3e: {  	_ =	shalt  }
0x3f: {  	_ =	shalt  }
0x40: {  	_ =	shalt  }
0x41: {  	_ =	shalt  }
0x42: {  	_ =	shalt  }
0x43: {  	_ =	shalt  }
0x44: {  	_ =	shalt  }
0x45: {  	_ =	shalt  }
0x46: {  	_ =	shalt  }
0x47: {  	_ =	shalt  }
0x48: {  	_ =	shalt  }
0x49: {  	_ =	shalt  }
0x4a: {  	_ =	shalt  }
0x4b: {  	_ =	shalt  }
0x4c: {  	_ =	shalt  }
0x4d: {  	_ =	shalt  }
0x4e: {  	_ =	shalt  }
0x4f: {  	_ =	shalt  }
0x50: {  	_ =	shalt  }
0x51: {  	_ =	shalt  }
0x52: {  	_ =	shalt  }
0x53: {  	_ =	shalt  }
0x54: {  	_ =	shalt  }
0x55: {  	_ =	shalt  }
0x56: {  	_ =	shalt  }
0x57: {  	_ =	shalt  }
0x58: {  	_ =	shalt  }
0x59: {  	_ =	shalt  }
0x5a: {  	_ =	shalt  }
0x5b: {  	_ =	shalt  }
0x5c: {  	_ =	shalt  }
0x5d: {  	_ =	shalt  }
0x5e: {  	_ =	shalt  }
0x5f: {  	_ =	shalt  }
0x60: {  	_ =	shalt  }
0x61: {  	_ =	shalt  }
0x62: {  	_ =	shalt  }
0x63: {  	_ =	shalt  }
0x64: {  	_ =	shalt  }
0x65: {  	_ =	shalt  }
0x66: {  	_ =	shalt  }
0x67: {  	_ =	shalt  }
0x68: {  	_ =	shalt  }
0x69: {  	_ =	shalt  }
0x6a: {  	_ =	shalt  }
0x6b: {  	_ =	shalt  }
0x6c: {  	_ =	shalt  }
0x6d: {  	_ =	shalt  }
0x6e: {  	_ =	shalt  }
0x6f: {  	_ =	shalt  }
0x70: {  	_ =	shalt  }
0x71: {  	_ =	shalt  }
0x72: {  	_ =	shalt  }
0x73: {  	_ =	shalt  }
0x74: {  	_ =	shalt  }
0x75: {  	_ =	shalt  }
0x76: {  	_ =	shalt  }
0x77: {  	_ =	shalt  }
0x78: {  	_ =	shalt  }
0x79: {  	_ =	shalt  }
0x7a: {  	_ =	shalt  }
0x7b: {  	_ =	shalt  }
0x7c: {  	_ =	shalt  }
0x7d: {  	_ =	shalt  }
0x7e: {  	_ =	shalt  }
0x7f: {  	_ =	shalt  }
0x80: {  	_ =	shalt  }
0x81: {  	_ =	shalt  }
0x82: {  	_ =	shalt  }
0x83: {  	_ =	shalt  }
0x84: {  	_ =	shalt  }
0x85: {  	_ =	shalt  }
0x86: {  	_ =	shalt  }
0x87: {  	_ =	shalt  }
.Lfunc_end0:
.L_simem_size_0:
called_computation.1_lowered:
.L_overlay_start_0:
0x88: {  	s2 =	sld [smem:$0x3FD9]  }
0x89: {  	s3 =	sld [smem:$0x3FFE];
	_ =	sdelay $0x1  }
0x8a: {  	s1 =	srdreg.scid  }
0x8b: {  	s0 =	sand.u32 $0x1, s1  }
0x8c: {  	s14 =	sshll.u32 s0, $0xA;
	s2 =	sadd.s32 s3, s2  }
0x8d: {  	s2 =	sadd.s32 s2, s14  }
0x8e: {  	[smem:$0x3FC0] =	sst s2  }
0x8f: {  	_ = 	snop  }
0x90: {  	s2 =	sld [smem:$0x3FD0];
	_ =	sdelay $0x2  }
0x91: {  	s4 =	simm.s32 $0xA;
	s5 =	simm.s32 $0x10;
	s15 =	sld [smem:$0x3FC7]  }
0x92: {  	[smem:s5], [sflag:s4] =	dma.local [hbm:s2], $0x1  }
0x93: {  	_ =	swait.eq [sflag:s4], $0x1  }
0x94: {  	[sflag:s4] =	ssyncset.done $0x0  }
0x95: {  	[sflag:s4] =	ssyncadd.s32 $0xFFFFFFFF  }
0x96: {  	s16 =	sld [smem:$0x10];
	(tm) =	ssettm $0x1  }
0x97: {  	s17 =	sld [smem:$0x3FFB];
	_ =	sdelay $0x3  }
0x98: {  	_ =	strace s17  }
0x99: {  	s4 =	sld [smem:$0x3FFC];
	_ =	sdelay $0x3  }
0x9a: {  	_ =	strace s4  }
0x9b: {  	s4 =	sld [smem:$0x3FFD];
	_ =	sdelay $0x3  }
0x9c: {  	_ =	strace s4  }
0x9d: {  	_ =	strace $0x8FFFFFFF  }
0x9e: {  	s18 =	sld [smem:$0x3FDB];
	_ =	sdelay $0x1  }
0x9f: {  	s19 =	simm.s32 $_scs_section_size  }
0xa0: {  	s6 =	simm.s32 $_size__tile_overlayer_lowered;
	s7 =	simm.s32 $_tile_overlayer_lowered  }
0xa1: {  	s22 =	simm.s32 $0x1BFF;
	s21 =	sshll.u32 s7, $0x1;
	s4 =	sadd.s32 s19, s18  }
0xa2: {  	s8 =	simm.s32 $0x0;
	s20 =	sshll.u32 s6, $0x1;
	s6 =	sadd.s32 s21, s4  }
0xa3: {  	[timem:s8], [sflag:s22] =	dma.local [hbm:s6], s20  }
0xa4: {  	_ =	swait.ge [sflag:s22], s20  }
0xa5: {  	s5 =	ssub.s32 $0x0, s20;
	[sflag:s22] =	ssyncset.done $0x0  }
0xa6: {  	[sflag:s22] =	ssyncadd.s32 s5;
	_ =	sdelay $0x1  }
0xa7: {  	s23 =	simm.s32 $0x1B8B  }
0xa8: {  	_ =	swait.ge [sflag:s23], $0x1  }
0xa9: {  	[sflag:s23] =	ssyncset.done $0x0  }
0xaa: {  	s25 =	simm.s32 $0x1B8E;
	s24 =	sld [smem:$0x3FFE];
	[sflag:s23] =	ssyncadd.s32 $0xFFFFFFFF  }
0xab: {  	s26 =	simm.s32 $execute0_lowered;
	[smem:$0x3FD2] =	sst s25  }
0xac: {  	s6 =	sshll.u32 s26, $0x1;
	_ =	strace $0x80000049;
	[dreg:$0x1] =	wrdreg $0xFFFFFFFF  }
0xad: {  	s28 =	simm.s32 $_size_execute0_lowered;
	s4 =	sadd.s32 s4, s6;
	[dreg:$0x0] =	wrdreg $0x0  }
0xae: {  	s6 =	sshll.u32 s28, $0x1;
	[dreg:$0x2] =	wrdreg s4  }
0xaf: {  	[dreg:$0x3] =	wrdreg s6  }
0xb0: {  	[dreg:$0x4] =	wrdreg $0xC0  }
0xb1: {  	_ =	task [dreg:s8], $0x5FFFF  }
0xb2: {  	[dreg:$0x1] =	wrdreg $0xFFFFFFFF  }
0xb3: {  	[dreg:$0x0] =	wrdreg $0x60  }
0xb4: {  	[dreg:$0x2] =	wrdreg s16  }
0xb5: {  	[dreg:$0x3] =	wrdreg s24  }
0xb6: {  	[dreg:$0x4] =	wrdreg s15  }
0xb7: {  	[dreg:$0x5] =	wrdreg $0x9  }
0xb8: {  	_ =	task.clear_ibuf [dreg:s8], $0x6FFFF;
	_ =	strace $0x90000049  }
0xb9: {  	s29 =	simm.s32 $0x9;
	_ =	strace $0x8000004B  }
0xba: {  	_ =	swait.ge [sflag:s29], $0x1  }
0xbb: {  	[sflag:s29] =	ssyncadd.s32 $0xFFFFFFFF  }
0xbc: {  	_ =	strace $0x9000004B  }
0xbd: {  	_ =	sfence  }
0xbe: {  	s30 =	sld [smem:$0x0];
	_ =	sdelay $0x2  }
0xbf: {  	s31 =	sshll.u32 s1, $0xD;
	s1 =	sshrl.u32 s1, $0x2  }
0xc0: {  	s3 =	sand.u32 $0x4000, s31;
	s1 =	sadd.s32 s1, s30  }
0xc1: {  	s0 =	sor.u32 s3, s0;
	s1 =	sshll.u32 s1, $0x11  }
0xc2: {  	s0 =	sor.u32 s1, s0  }
0xc3: {  	s0 =	sadd.s32 $0x8F2B, s0  }
0xc4: {  	[sflag:s0] =	ssyncadd.remote.s32 $0x1  }
0xc5: {  	_ =	sfence.sel $0xFFFF  }
0xc6: {  	[dreg:$0x0] =	wrdreg $0xFFFFFFFF;
	(pc) =	sbr.abs _section_cstart, $3  }
0xc7: {  	[dreg:$0x1] =	wrdreg $0xFFFFFFFF  }
0xc8: {  	_ =	task.clear_ibuf [dreg:s8], $0x2FFFF;
	_ =	strace $0x9FFFFFFF  }
0xc9: {  	(tm) =	ssettm $0x7FFFFFFF  }
tec
execute0_lowered:
.L_overlay_start_1:
0x0: {  	(tag) =	ssettag $0x1  }
0x1: {  	s0 =	rddreg [dreg:$0x0]  }
0x2: {  	s1 =	rddreg [dreg:$0x1]  }
0x3: {  	s2 =	rddreg [dreg:$0x2]  }
0x4: {  	s4 =	srdreg.scid;
	s6 =	stileid.u32  }
0x5: {  	s3 =	simm.s32 $0x0;
	s15 =	simm.s32 $0x3;
	s16 =	simm.s32 $0x2800  }
0x6: {  	s19 =	simm.s32 $0x13F10;
	s20 =	simm.s32 $0x18D30;
	s21 =	simm.s32 $0x1  }
0x7: {  	s22 =	simm.s32 $0x5000;
	s23 =	simm.s32 $0x7800;
	s24 =	simm.s32 $0xA000  }
0x8: {  	s28 =	simm.s32 $0xF000;
	s5 =	sand.u32 $0x1, s4;
	s25 =	sshll.u32 s6, $0x1  }
0x9: {  	s29 =	simm.s32 $0x0;
	[smem:$0x7FF] =	sst s3;
	s6 =	sor.u32 s5, s25  }
0xa: {  	s4 =	sadd.s32 $0x1E00, s1;
	s1 =	sadd.s32 $0x51E00, s1;
	s7 =	smul.u32 $0x5000, s6  }
0xb: {  	_ =	strace $0x8000004A;
	s5 =	ssub.s32 $0x2, s5;
	s9 =	smul.u32 $0xA00, s6  }
0xc: {  	s25 =	simm.s32 $0xC800;
	s8 =	sshrl.u32 s5, $0x1;
	s10 =	smul.u32 $0x4E2, s6  }
0xd: {  	s6 =	smul.u32 $0x2800, s6;
	s5 =	ssub.s32 s5, s8;
	s7 =	sshrl.u32 s7, $0x3  }
0xe: {  	s26 =	sadd.s32 s0, s9;
	s30 =	sadd.s32 s4, s10;
	s8 =	sadd.s32 s2, s10  }
0xf: {  	s6 =	sshrl.u32 s6, $0x3;
	s9 =	sadd.s32 s1, s9;
	[dreg:$0x4] =	wrdreg s26  }
0x10: {  	s14 =	smax.u32 s5, $0x1;
	s11 =	sadd.s32 $0x500, s7;
	[dreg:$0x6] =	wrdreg s30  }
0x11: {  	s31 =	sadd.s32 s1, s7;
	s6 =	sadd.s32 s1, s6;
	s26 =	simm.s32 $0x2  }
0x12: {  	s0 =	sadd.s32 s0, s11;
	s10 =	sadd.s32 $0x14000, s31;
	s11 =	sadd.s32 s1, s11  }
0x13: {  	v0 =	vimm.f32 $0.0e+00;
	s12 =	sadd.s32 $0x14500, s31;
	s13 =	sadd.s32 $0x28000, s6;
	[dreg:$0x5] =	wrdreg s0  }
.LBB2_1:
0x14: {  	s0 =	rddreg [dreg:$0x4]  }
0x15: {  	[tilespmem:s3], [sflag:$0x3] =	stream.linear.gather [hbm4b:s0+s3], $0x2800, $0x38;
	[tilespmem:$0x1B440] =	vst v63  }
0x16: {  	_ =	swait.ge [sflag:s15], $0x2800  }
0x17: {  	[sflag:s15] =	ssyncset.done $0x0  }
0x18: {  	s18 =	rddreg [dreg:$0x5];
	[sflag:s15] =	ssyncadd.s32 $0xFFFFD800  }
0x19: {  	[tilespmem:s16], [sflag:$0x3] =	stream.linear.gather [hbm4b:s18+s3], $0x2800, $0x38;
	[tilespmem:$0x1B440] =	vst v63  }
0x1a: {  	_ =	swait.ge [sflag:s15], $0x2800  }
0x1b: {  	[sflag:s15] =	ssyncset.done $0x0  }
0x1c: {  	s0 =	simm.s32 $0x5020;
	[sflag:s15] =	ssyncadd.s32 $0xFFFFD800  }
0x1d: {  	[tilespmem:s0+$0x0] =	vst v0  }
0x1e: {  	[tilespmem:s0+$0xFFFFFFE0] =	vst v0  }
0x1f: {  	[tilespmem:s0+$0xFFFFFFF0] =	vst v0  }
0x20: {  	s1 =	simm.s32 $0x7820;
	[tilespmem:s0+$0x10] =	vst v0  }
0x21: {  	[tilespmem:s1+$0x10] =	vst v0  }
0x22: {  	[tilespmem:s1+$0xFFFFFFF0] =	vst v0  }
0x23: {  	s17 =	simm.s32 $0xA020;
	[tilespmem:s1+$0xFFFFFFE0] =	vst v0  }
0x24: {  	[tilespmem:s17+$0x10] =	vst v0  }
0x25: {  	[tilespmem:s17+$0xFFFFFFF0] =	vst v0  }
0x26: {  	s30 =	simm.s32 $0xC820;
	[tilespmem:s17+$0xFFFFFFE0] =	vst v0  }
0x27: {  	[tilespmem:s30+$0x10] =	vst v0  }
0x28: {  	[tilespmem:s30+$0xFFFFFFE0] =	vst v0  }
0x29: {  	s31 =	simm.s32 $0xF020;
	[tilespmem:s30+$0xFFFFFFF0] =	vst v0  }
0x2a: {  	s5 =	simm.s32 $0xA060;
	[tilespmem:s31+$0x10] =	vst v0  }
0x2b: {  	s6 =	simm.s32 $0xC860;
	s7 =	simm.s32 $0xF060;
	s18 =	simm.s32 $0x0;
	[tilespmem:s31+$0xFFFFFFF0] =	vst v0  }
.LBB2_2:
0x2c: {  	s18 =	sadd.s32 $0x40, s18;
	[tilespmem:s1+$0x0] =	vst v0;
	s0 =	sadd.s32 $0x40, s0;
	s1 =	sadd.s32 $0x40, s1  }
0x2d: {  	p0 =	slt.u32 s18, $0x27C0;
	[tilespmem:s17+$0x0] =	vst v0;
	s17 =	smov.u32 s5  }
0x2e: {  	[tilespmem:s30+$0x0] =	vst v0;
	s30 =	smov.u32 s6  }
0x2f: {  	[tilespmem:s31+$0xFFFFFFE0] =	vst v0  }
0x30: {  	[tilespmem:s31+$0x0] =	vst v0;
	s31 =	smov.u32 s7  }
0x31: {  	[tilespmem:s0+$0x0] =	vst v0  }
0x32: {  	[tilespmem:s0+$0xFFFFFFE0] =	vst v0  }
0x33: {  	[tilespmem:s0+$0xFFFFFFF0] =	vst v0  }
0x34: {  	[tilespmem:s0+$0x10] =	vst v0  }
0x35: {  	[tilespmem:s1+$0x10] =	vst v0  }
0x36: {  	[tilespmem:s5+$0x10] =	vst v0  }
0x37: {  	[tilespmem:s6+$0x10] =	vst v0  }
0x38: {  	[tilespmem:s7+$0x10] =	vst v0  }
0x39: {  	[tilespmem:s1+$0xFFFFFFF0] =	vst v0  }
0x3a: {  	[tilespmem:s5+$0xFFFFFFF0] =	vst v0  }
.Ltmp0:
0x3b: {  	[tilespmem:s1+$0xFFFFFFE0] =	vst v0;
	(pc) =	sbr.rel @p0 .LBB2_2-.Ltmp0, $4  }
0x3c: {  	[tilespmem:s5+$0xFFFFFFE0] =	vst v0  }
0x3d: {  	[tilespmem:s6+$0xFFFFFFE0] =	vst v0  }
0x3e: {  	[tilespmem:s6+$0xFFFFFFF0] =	vst v0  }
0x3f: {  	s7 =	sadd.s32 $0x40, s7;
	s5 =	sadd.s32 $0x40, s5;
	s6 =	sadd.s32 $0x40, s6;
	[tilespmem:s31+$0xFFFFFFF0] =	vst v0  }
0x40: {  	[tilespmem:s1+$0x0] =	vst v0  }
0x41: {  	[tilespmem:s31+$0xFFFFFFE0] =	vst v0  }
0x42: {  	[tilespmem:s17+$0x0] =	vst v0  }
0x43: {  	[tilespmem:s30+$0x0] =	vst v0  }
0x44: {  	s7 =	simm.s32 $0x11800;
	s30 =	simm.s32 $0x0;
	[tilespmem:s31+$0x0] =	vst v0  }
0x45: {  	[tilespmem:s7], [sflag:$0x1] =	stream.linear.gather [hbm4b:s4+s30], $0x2710, $0x38;
	[tilespmem:$0x1B440] =	vst v63  }
0x46: {  	s18 =	simm.s32 $0x16620  }
0x47: {  	[tilespmem:s18], [sflag:$0x1] =	stream.linear.gather [hbm4b:s2+s30], $0x2710, $0x38;
	[tilespmem:$0x1B440] =	vst v63  }
.LBB2_4:
0x48: {  	s31 =	smul.u32 $0x4E20, s30;
	_ =	sdelay $0x1  }
0x49: {  	s0 =	sshrl.u32 s31, $0x3  }
0x4a: {  	s0 =	sadd.s32 $0x4E2, s0  }
0x4b: {  	s1 =	sadd.s32 s4, s0  }
0x4c: {  	[tilespmem:s19], [sflag:$0x2] =	stream.linear.gather [hbm4b:s1+s3], $0x2710, $0x38;
	[tilespmem:$0x1B440] =	vst v63  }
0x4d: {  	s0 =	sadd.s32 s2, s0  }
0x4e: {  	[tilespmem:s20], [sflag:$0x2] =	stream.linear.gather [hbm4b:s0+s3], $0x2710, $0x38;
	[tilespmem:$0x1B440] =	vst v63  }
0x4f: {  	_ =	swait.ge [sflag:s21], $0x2710  }
0x50: {  	[sflag:s21] =	ssyncset.done $0x0  }
0x51: {  	[sflag:s21] =	ssyncadd.s32 $0xFFFFD8F0  }
0x52: {  	_ =	swait.ge [sflag:s21], $0x2710  }
0x53: {  	[sflag:s21] =	ssyncset.done $0x0  }
0x54: {  	s17 =	simm.s32 $0x11840;
	[sflag:s21] =	ssyncadd.s32 $0xFFFFD8F0  }
0x55: {  	v1 =	vld [tilespmem:s17+$0x30]  }
0x56: {  	v2 =	vld [tilespmem:s17+$0xFFFFFFD0]  }
0x57: {  	v3 =	vld [tilespmem:s17+$0xFFFFFFE0]  }
0x58: {  	v4 =	vld [tilespmem:s17+$0xFFFFFFF0]  }
0x59: {  	v5 =	vld [tilespmem:s17+$0x0]  }
0x5a: {  	v7 =	vld [tilespmem:s17+$0x10]  }
0x5b: {  	v9 =	vld [tilespmem:s17+$0xFFFFFFC0]  }
0x5c: {  	s0 =	simm.s32 $0x16660;
	v10 =	vld [tilespmem:s17+$0x20];
	v6 =	vand.u32 $0x3FFF, v1  }
0x5d: {  	v18 =	vld [tilespmem:s0+$0x30]  }
0x5e: {  	v53 =	vld [tilespmem:s0+$0xFFFFFFC0]  }
0x5f: {  	v54 =	vld [tilespmem:s0+$0xFFFFFFD0]  }
0x60: {  	v27 =	vld [tilespmem:s0+$0xFFFFFFE0]  }
0x61: {  	v8 =	vand.u32 $0x3FFF, v2;
	v14 =	vld.idx.msk [tilespmem:v6+s3+$0x0], $0xffff  }
0x62: {  	v28 =	vld [tilespmem:s0+$0xFFFFFFF0];
	v12 =	vand.u32 $0x3FFF, v4  }
0x63: {  	v30 =	vld [tilespmem:s0+$0x0];
	v17 =	vand.u32 $0x3FFF, v9  }
0x64: {  	v31 =	vld [tilespmem:s0+$0x10];
	v1 =	vshra.s32 v1, $0xE  }
0x65: {  	v34 =	vld [tilespmem:s0+$0x20]  }
0x66: {  	v16 =	vld.idx.msk [tilespmem:v8+s3+$0x0], $0xffff;
	v24 =	vshll.u32 v14, $0x10  }
0x67: {  	v11 =	vand.u32 $0x3FFF, v3;
	v21 =	vld.idx.msk [tilespmem:v12+s3+$0x0], $0xffff;
	v14 =	vand.u32 $0xFFFF0000, v14;
	v24 =	vmul.f32 v24, v18  }
0x68: {  	v13 =	vand.u32 $0x3FFF, v5;
	v25 =	vld.idx.msk [tilespmem:v17+s3+$0x0], $0xffff;
	v14 =	vmul.f32 v14, v18  }
0x69: {  	v15 =	vand.u32 $0x3FFF, v7;
	[tilespmem:v1+s22+$0x0] =	vst.idx.add.f32.msk $0xffff, v24  }
0x6a: {  	v19 =	vand.u32 $0x3FFF, v10;
	[tilespmem:v1+s23+$0x0] =	vst.idx.add.f32.msk $0xffff, v14  }
0x6b: {  	v9 =	vshra.s32 v9, $0xE;
	v6 =	vld.idx.msk [tilespmem:v6+s16+$0x0], $0xffff  }
0x6c: {  	v33 =	vshra.s32 v2, $0xE;
	v20 =	vld.idx.msk [tilespmem:v11+s3+$0x0], $0xffff  }
0x6d: {  	v4 =	vshra.s32 v4, $0xE;
	v22 =	vld.idx.msk [tilespmem:v13+s3+$0x0], $0xffff;
	v29 =	vshll.u32 v25, $0x10  }
0x6e: {  	v23 =	vld.idx.msk [tilespmem:v15+s3+$0x0], $0xffff;
	v55 =	vshll.u32 v16, $0x10;
	v29 =	vmul.f32 v29, v53  }
0x6f: {  	v57 =	vshra.s32 v5, $0xE;
	v26 =	vld.idx.msk [tilespmem:v19+s3+$0x0], $0xffff;
	v5 =	vshll.u32 v21, $0x10;
	v56 =	vmul.f32 v55, v54  }
0x70: {  	v5 =	vmul.f32 v5, v28;
	[tilespmem:v9+s22+$0x0] =	vst.idx.add.f32.msk $0xffff, v29;
	v32 =	vshll.u32 v6, $0x10  }
0x71: {  	[tilespmem:v33+s22+$0x0] =	vst.idx.add.f32.msk $0xffff, v56;
	v2 =	vand.u32 $0xFFFF0000, v6;
	v6 =	vmul.f32 v32, v18  }
0x72: {  	v3 =	vshra.s32 v3, $0xE;
	v25 =	vand.u32 $0xFFFF0000, v25;
	[tilespmem:v4+s22+$0x0] =	vst.idx.add.f32.msk $0xffff, v5;
	v2 =	vmul.f32 v2, v18  }
0x73: {  	v25 =	vmul.f32 v25, v53;
	[tilespmem:v1+s24+$0x0] =	vst.idx.add.f32.msk $0xffff, v6;
	v6 =	vand.u32 $0xFFFF0000, v16  }
0x74: {  	[tilespmem:v1+s25+$0x0] =	vst.idx.add.f32.msk $0xffff, v2;
	v1 =	vshll.u32 v20, $0x10;
	v2 =	vmul.f32 v6, v54  }
0x75: {  	[tilespmem:v9+s23+$0x0] =	vst.idx.add.f32.msk $0xffff, v25;
	v6 =	vand.u32 $0xFFFF0000, v20;
	v1 =	vmul.f32 v1, v27  }
0x76: {  	v6 =	vmul.f32 v6, v27;
	[tilespmem:v33+s23+$0x0] =	vst.idx.add.f32.msk $0xffff, v2;
	v2 =	vand.u32 $0xFFFF0000, v21  }
0x77: {  	[tilespmem:v3+s22+$0x0] =	vst.idx.add.f32.msk $0xffff, v1;
	v1 =	vshra.s32 v7, $0xE;
	v7 =	vshll.u32 v22, $0x10;
	v58 =	vmul.f32 v2, v28  }
0x78: {  	[tilespmem:v3+s23+$0x0] =	vst.idx.add.f32.msk $0xffff, v6;
	v6 =	vand.u32 $0xFFFF0000, v22;
	v7 =	vmul.f32 v7, v30  }
0x79: {  	v2 =	vshra.s32 v10, $0xE;
	v6 =	vmul.f32 v6, v30;
	[tilespmem:v4+s23+$0x0] =	vst.idx.add.f32.msk $0xffff, v58  }
0x7a: {  	v5 =	vshll.u32 v23, $0x10;
	[tilespmem:v57+s22+$0x0] =	vst.idx.add.f32.msk $0xffff, v7  }
0x7b: {  	v5 =	vmul.f32 v5, v31;
	v7 =	vshll.u32 v26, $0x10;
	[tilespmem:v57+s23+$0x0] =	vst.idx.add.f32.msk $0xffff, v6  }
0x7c: {  	v6 =	vmul.f32 v7, v34;
	v7 =	vld.idx.msk [tilespmem:v11+s16+$0x0], $0xffff  }
0x7d: {  	[tilespmem:v1+s22+$0x0] =	vst.idx.add.f32.msk $0xffff, v5;
	v5 =	vand.u32 $0xFFFF0000, v26  }
0x7e: {  	v5 =	vmul.f32 v5, v34;
	[tilespmem:v2+s22+$0x0] =	vst.idx.add.f32.msk $0xffff, v6  }
0x7f: {  	v10 =	vand.u32 $0xFFFF0000, v23;
	v6 =	vld.idx.msk [tilespmem:v17+s16+$0x0], $0xffff  }
0x80: {  	v10 =	vmul.f32 v10, v31;
	[tilespmem:v2+s23+$0x0] =	vst.idx.add.f32.msk $0xffff, v5  }
0x81: {  	v5 =	vld.idx.msk [tilespmem:v8+s16+$0x0], $0xffff  }
0x82: {  	[tilespmem:v1+s23+$0x0] =	vst.idx.add.f32.msk $0xffff, v10  }
0x83: {  	v10 =	vld.idx.msk [tilespmem:v13+s16+$0x0], $0xffff  }
0x84: {  	v59 =	vld.idx.msk [tilespmem:v15+s16+$0x0], $0xffff;
	v11 =	vshll.u32 v6, $0x10  }
0x85: {  	v8 =	vld.idx.msk [tilespmem:v12+s16+$0x0], $0xffff;
	v6 =	vand.u32 $0xFFFF0000, v6;
	v11 =	vmul.f32 v11, v53  }
0x86: {  	v60 =	vld.idx.msk [tilespmem:v19+s16+$0x0], $0xffff;
	v6 =	vmul.f32 v6, v53;
	v61 =	vshll.u32 v5, $0x10  }
0x87: {  	v5 =	vand.u32 $0xFFFF0000, v5;
	[tilespmem:v9+s24+$0x0] =	vst.idx.add.f32.msk $0xffff, v11;
	v11 =	vmul.f32 v61, v54  }
0x88: {  	v62 =	vshll.u32 v7, $0x10;
	v5 =	vmul.f32 v5, v54;
	[tilespmem:v9+s25+$0x0] =	vst.idx.add.f32.msk $0xffff, v6  }
0x89: {  	v6 =	vand.u32 $0xFFFF0000, v7;
	v7 =	vmul.f32 v62, v27;
	[tilespmem:v33+s24+$0x0] =	vst.idx.add.f32.msk $0xffff, v11  }
0x8a: {  	v9 =	vshll.u32 v8, $0x10;
	[tilespmem:v33+s25+$0x0] =	vst.idx.add.f32.msk $0xffff, v5;
	v5 =	vmul.f32 v6, v27  }
0x8b: {  	v6 =	vand.u32 $0xFFFF0000, v8;
	[tilespmem:v3+s24+$0x0] =	vst.idx.add.f32.msk $0xffff, v7;
	v7 =	vmul.f32 v9, v28  }
0x8c: {  	v8 =	vshll.u32 v10, $0x10;
	v6 =	vmul.f32 v6, v28;
	[tilespmem:v3+s25+$0x0] =	vst.idx.add.f32.msk $0xffff, v5  }
0x8d: {  	v11 =	vshll.u32 v60, $0x10;
	v8 =	vmul.f32 v8, v30;
	v3 =	vand.u32 $0xFFFF0000, v10;
	[tilespmem:v4+s24+$0x0] =	vst.idx.add.f32.msk $0xffff, v7  }
0x8e: {  	v5 =	vshll.u32 v59, $0x10;
	v7 =	vand.u32 $0xFFFF0000, v59;
	v63 =	vmul.f32 v3, v30;
	[tilespmem:v4+s25+$0x0] =	vst.idx.add.f32.msk $0xffff, v6  }
0x8f: {  	v3 =	vand.u32 $0xFFFF0000, v60;
	v10 =	vmul.f32 v5, v31;
	v9 =	vmul.f32 v7, v31;
	[tilespmem:v57+s24+$0x0] =	vst.idx.add.f32.msk $0xffff, v8  }
0x90: {  	s1 =	simm.s32 $0x0;
	s17 =	simm.s32 $0x118C0;
	v5 =	vmul.f32 v11, v34;
	v3 =	vmul.f32 v3, v34;
	[tilespmem:v57+s25+$0x0] =	vst.idx.add.f32.msk $0xffff, v63  }
.LBB2_5:
0x91: {  	v12 =	vld [tilespmem:s17+$0x30]  }
0x92: {  	v4 =	vld [tilespmem:s17+$0xFFFFFFD0]  }
0x93: {  	s1 =	sadd.s32 $0x80, s1;
	v6 =	vld [tilespmem:s17+$0xFFFFFFE0]  }
0x94: {  	p0 =	slt.u32 s1, $0x2680;
	v13 =	vld [tilespmem:s17+$0xFFFFFFF0]  }
0x95: {  	v14 =	vld [tilespmem:s17+$0x0]  }
0x96: {  	v15 =	vld [tilespmem:s17+$0x10];
	v16 =	vand.u32 $0x3FFF, v12  }
0x97: {  	v8 =	vshra.s32 v4, $0xE;
	v11 =	vand.u32 $0x3FFF, v4;
	v17 =	vld [tilespmem:s17+$0x20]  }
0x98: {  	v18 =	vld [tilespmem:s17+$0xFFFFFFC0];
	v7 =	vshra.s32 v6, $0xE;
	v19 =	vand.u32 $0x3FFF, v6  }
0x99: {  	v6 =	vshra.s32 v13, $0xE;
	v13 =	vand.u32 $0x3FFF, v13;
	[tilespmem:v1+s24+$0x0] =	vst.idx.add.f32.msk $0xffff, v10  }
0x9a: {  	v4 =	vshra.s32 v14, $0xE;
	v14 =	vand.u32 $0x3FFF, v14;
	[tilespmem:v1+s25+$0x0] =	vst.idx.add.f32.msk $0xffff, v9  }
0x9b: {  	v1 =	vshra.s32 v15, $0xE;
	v15 =	vand.u32 $0x3FFF, v15;
	v20 =	vld.idx.msk [tilespmem:v16+s3+$0x0], $0xffff  }
0x9c: {  	s0 =	sadd.s32 $0x80, s0;
	v21 =	vld.idx.msk [tilespmem:v11+s3+$0x0], $0xffff;
	v10 =	vshra.s32 v17, $0xE;
	v17 =	vand.u32 $0x3FFF, v17  }
0x9d: {  	v9 =	vshra.s32 v18, $0xE;
	v18 =	vand.u32 $0x3FFF, v18;
	v22 =	vld [tilespmem:s0+$0x30]  }
0x9e: {  	v23 =	vld.idx.msk [tilespmem:v19+s3+$0x0], $0xffff  }
0x9f: {  	v12 =	vshra.s32 v12, $0xE;
	v24 =	vld.idx.msk [tilespmem:v13+s3+$0x0], $0xffff  }
0xa0: {  	v25 =	vld.idx.msk [tilespmem:v14+s3+$0x0], $0xffff  }
0xa1: {  	v27 =	vshll.u32 v20, $0x10;
	v26 =	vld.idx.msk [tilespmem:v15+s3+$0x0], $0xffff  }
0xa2: {  	v20 =	vand.u32 $0xFFFF0000, v20;
	v29 =	vshll.u32 v21, $0x10;
	v28 =	vld.idx.msk [tilespmem:v18+s3+$0x0], $0xffff;
	v27 =	vmul.f32 v27, v22  }
0xa3: {  	v21 =	vand.u32 $0xFFFF0000, v21;
	v20 =	vmul.f32 v20, v22;
	v30 =	vld.idx.msk [tilespmem:v17+s3+$0x0], $0xffff  }
0xa4: {  	v31 =	vshll.u32 v23, $0x10;
	v23 =	vand.u32 $0xFFFF0000, v23;
	[tilespmem:v12+s22+$0x0] =	vst.idx.add.f32.msk $0xffff, v27  }
0xa5: {  	v27 =	vshll.u32 v24, $0x10;
	v24 =	vand.u32 $0xFFFF0000, v24;
	[tilespmem:v12+s23+$0x0] =	vst.idx.add.f32.msk $0xffff, v20  }
0xa6: {  	v20 =	vshll.u32 v25, $0x10;
	v25 =	vand.u32 $0xFFFF0000, v25;
	v16 =	vld.idx.msk [tilespmem:v16+s16+$0x0], $0xffff  }
0xa7: {  	v33 =	vshll.u32 v26, $0x10;
	v26 =	vand.u32 $0xFFFF0000, v26;
	v32 =	vld [tilespmem:s0+$0xFFFFFFC0]  }
0xa8: {  	v34 =	vshll.u32 v28, $0x10;
	v28 =	vand.u32 $0xFFFF0000, v28;
	v35 =	vld [tilespmem:s0+$0xFFFFFFD0]  }
0xa9: {  	v37 =	vshll.u32 v30, $0x10;
	v30 =	vand.u32 $0xFFFF0000, v30;
	v36 =	vld [tilespmem:s0+$0xFFFFFFE0]  }
0xaa: {  	v38 =	vld [tilespmem:s0+$0xFFFFFFF0]  }
0xab: {  	v39 =	vld [tilespmem:s0+$0x0]  }
0xac: {  	v41 =	vshll.u32 v16, $0x10;
	v34 =	vmul.f32 v34, v32;
	v28 =	vmul.f32 v28, v32;
	v40 =	vld [tilespmem:s0+$0x10]  }
0xad: {  	v16 =	vand.u32 $0xFFFF0000, v16;
	v41 =	vmul.f32 v41, v22;
	v29 =	vmul.f32 v29, v35;
	v42 =	vld [tilespmem:s0+$0x20]  }
0xae: {  	v16 =	vmul.f32 v16, v22;
	v21 =	vmul.f32 v21, v35;
	[tilespmem:v9+s22+$0x0] =	vst.idx.add.f32.msk $0xffff, v34  }
0xaf: {  	v22 =	vmul.f32 v31, v36;
	v23 =	vmul.f32 v23, v36;
	[tilespmem:v12+s24+$0x0] =	vst.idx.add.f32.msk $0xffff, v41  }
0xb0: {  	v27 =	vmul.f32 v27, v38;
	v24 =	vmul.f32 v24, v38;
	[tilespmem:v12+s25+$0x0] =	vst.idx.add.f32.msk $0xffff, v16  }
0xb1: {  	v12 =	vmul.f32 v20, v39;
	v16 =	vmul.f32 v25, v39;
	[tilespmem:v9+s23+$0x0] =	vst.idx.add.f32.msk $0xffff, v28  }
0xb2: {  	v20 =	vmul.f32 v33, v40;
	v25 =	vmul.f32 v26, v40;
	[tilespmem:v8+s22+$0x0] =	vst.idx.add.f32.msk $0xffff, v29  }
0xb3: {  	v26 =	vmul.f32 v30, v42;
	[tilespmem:v8+s23+$0x0] =	vst.idx.add.f32.msk $0xffff, v21;
	v21 =	vmul.f32 v37, v42  }
0xb4: {  	[tilespmem:v7+s22+$0x0] =	vst.idx.add.f32.msk $0xffff, v22  }
0xb5: {  	[tilespmem:v7+s23+$0x0] =	vst.idx.add.f32.msk $0xffff, v23  }
0xb6: {  	[tilespmem:v6+s22+$0x0] =	vst.idx.add.f32.msk $0xffff, v27  }
0xb7: {  	[tilespmem:v6+s23+$0x0] =	vst.idx.add.f32.msk $0xffff, v24  }
0xb8: {  	[tilespmem:v4+s22+$0x0] =	vst.idx.add.f32.msk $0xffff, v12  }
0xb9: {  	[tilespmem:v4+s23+$0x0] =	vst.idx.add.f32.msk $0xffff, v16  }
0xba: {  	[tilespmem:v1+s22+$0x0] =	vst.idx.add.f32.msk $0xffff, v20  }
0xbb: {  	[tilespmem:v1+s23+$0x0] =	vst.idx.add.f32.msk $0xffff, v25  }
0xbc: {  	[tilespmem:v10+s22+$0x0] =	vst.idx.add.f32.msk $0xffff, v21  }
0xbd: {  	[tilespmem:v10+s23+$0x0] =	vst.idx.add.f32.msk $0xffff, v26  }
0xbe: {  	v12 =	vld.idx.msk [tilespmem:v18+s16+$0x0], $0xffff  }
0xbf: {  	v11 =	vld.idx.msk [tilespmem:v11+s16+$0x0], $0xffff  }
0xc0: {  	v16 =	vld.idx.msk [tilespmem:v19+s16+$0x0], $0xffff  }
0xc1: {  	v13 =	vld.idx.msk [tilespmem:v13+s16+$0x0], $0xffff  }
0xc2: {  	v14 =	vld.idx.msk [tilespmem:v14+s16+$0x0], $0xffff  }
0xc3: {  	v15 =	vld.idx.msk [tilespmem:v15+s16+$0x0], $0xffff  }
0xc4: {  	v18 =	vshll.u32 v12, $0x10;
	v12 =	vand.u32 $0xFFFF0000, v12;
	v17 =	vld.idx.msk [tilespmem:v17+s16+$0x0], $0xffff  }
0xc5: {  	v18 =	vmul.f32 v18, v32;
	v19 =	vshll.u32 v11, $0x10;
	v11 =	vand.u32 $0xFFFF0000, v11;
	[tilespmem:v2+s24+$0x0] =	vst.idx.add.f32.msk $0xffff, v5  }
0xc6: {  	v5 =	vmul.f32 v12, v32;
	v12 =	vshll.u32 v16, $0x10;
	v16 =	vand.u32 $0xFFFF0000, v16;
	[tilespmem:v2+s25+$0x0] =	vst.idx.add.f32.msk $0xffff, v3;
	v2 =	vmovc v10  }
0xc7: {  	v3 =	vmul.f32 v19, v35;
	v10 =	vshll.u32 v13, $0x10;
	v13 =	vand.u32 $0xFFFF0000, v13;
	[tilespmem:v9+s24+$0x0] =	vst.idx.add.f32.msk $0xffff, v18  }
0xc8: {  	[tilespmem:v9+s25+$0x0] =	vst.idx.add.f32.msk $0xffff, v5;
	v5 =	vmul.f32 v11, v35;
	v9 =	vshll.u32 v14, $0x10;
	v11 =	vand.u32 $0xFFFF0000, v14  }
0xc9: {  	v14 =	vand.u32 $0xFFFF0000, v15;
	[tilespmem:v8+s24+$0x0] =	vst.idx.add.f32.msk $0xffff, v3;
	v3 =	vmul.f32 v12, v36;
	v12 =	vshll.u32 v15, $0x10  }
0xca: {  	v15 =	vand.u32 $0xFFFF0000, v17;
	[tilespmem:v8+s25+$0x0] =	vst.idx.add.f32.msk $0xffff, v5;
	v5 =	vmul.f32 v16, v36;
	v8 =	vshll.u32 v17, $0x10  }
0xcb: {  	v13 =	vmul.f32 v13, v38;
	[tilespmem:v7+s24+$0x0] =	vst.idx.add.f32.msk $0xffff, v3;
	v3 =	vmul.f32 v10, v38  }
.Ltmp1:
0xcc: {  	v11 =	vmul.f32 v11, v39;
	[tilespmem:v7+s25+$0x0] =	vst.idx.add.f32.msk $0xffff, v5;
	v7 =	vmul.f32 v9, v39;
	(pc) =	sbr.rel @p0 .LBB2_5-.Ltmp1, $4  }
0xcd: {  	v10 =	vmul.f32 v12, v40;
	v9 =	vmul.f32 v14, v40;
	[tilespmem:v6+s24+$0x0] =	vst.idx.add.f32.msk $0xffff, v3  }
0xce: {  	v5 =	vmul.f32 v8, v42;
	v3 =	vmul.f32 v15, v42;
	[tilespmem:v6+s25+$0x0] =	vst.idx.add.f32.msk $0xffff, v13  }
0xcf: {  	[tilespmem:v4+s24+$0x0] =	vst.idx.add.f32.msk $0xffff, v7  }
0xd0: {  	s17 =	sadd.s32 $0x80, s17;
	[tilespmem:v4+s25+$0x0] =	vst.idx.add.f32.msk $0xffff, v11  }
0xd1: {  	_ =	sdelay $0x3  }
0xd2: {  	[tilespmem:v1+s24+$0x0] =	vst.idx.add.f32.msk $0xffff, v10  }
0xd3: {  	[tilespmem:v2+s24+$0x0] =	vst.idx.add.f32.msk $0xffff, v5  }
0xd4: {  	[tilespmem:v1+s25+$0x0] =	vst.idx.add.f32.msk $0xffff, v9  }
0xd5: {  	[tilespmem:v2+s25+$0x0] =	vst.idx.add.f32.msk $0xffff, v3  }
0xd6: {  	v1 =	vld [tilespmem:$0x13F00];
	_ =	sdelay $0x4  }
0xd7: {  	v2 =	vand.u32 $0x3FFF, v1;
	_ =	sdelay $0x4  }
0xd8: {  	v3 =	vld.idx.msk [tilespmem:v2+s3+$0x0], $0xffff  }
0xd9: {  	v4 =	vld [tilespmem:$0x18D20];
	_ =	sdelay $0x1  }
0xda: {  	v1 =	vshra.s32 v1, $0xE;
	_ =	sdelay $0x1  }
0xdb: {  	v5 =	vshll.u32 v3, $0x10  }
0xdc: {  	v3 =	vand.u32 $0xFFFF0000, v3;
	v5 =	vmul.f32 v5, v4  }
0xdd: {  	v3 =	vmul.f32 v3, v4  }
0xde: {  	[tilespmem:v1+s22+$0x0] =	vst.idx.add.f32.msk $0xffff, v5  }
0xdf: {  	[tilespmem:v1+s23+$0x0] =	vst.idx.add.f32.msk $0xffff, v3  }
0xe0: {  	v2 =	vld.idx.msk [tilespmem:v2+s16+$0x0], $0xffff;
	_ =	sdelay $0x4  }
0xe1: {  	v3 =	vshll.u32 v2, $0x10  }
0xe2: {  	p0 =	seq.s32 s30, $0xF;
	v2 =	vand.u32 $0xFFFF0000, v2;
	v3 =	vmul.f32 v3, v4  }
0xe3: {  	s0 =	sshrl.u32 @!p0 s31, $0x3;
	v2 =	vmul.f32 v2, v4  }
0xe4: {  	s0 =	sadd.s32 @!p0 $0x9C4, s0;
	[tilespmem:v1+s24+$0x0] =	vst.idx.add.f32.msk $0xffff, v3  }
0xe5: {  	s5 =	simm.s32 @!p0 $0x0;
	s6 =	simm.s32 @!p0 $0x11800;
	s1 =	sadd.s32 @!p0 s4, s0;
	[tilespmem:v1+s25+$0x0] =	vst.idx.add.f32.msk $0xffff, v2  }
0xe6: {  	[tilespmem:s6], [sflag:$0x1] =	stream.linear.gather @!p0 [hbm4b:s1+s5], $0x2710, $0x38;
	[tilespmem:$0x1B440] =	vst v63  }
0xe7: {  	s0 =	sadd.s32 @!p0 s2, s0;
	s1 =	simm.s32 @!p0 $0x16620  }
0xe8: {  	[tilespmem:s1], [sflag:$0x1] =	stream.linear.gather @!p0 [hbm4b:s0+s5], $0x2710, $0x38;
	[tilespmem:$0x1B440] =	vst v63  }
0xe9: {  	_ =	swait.ge [sflag:s26], $0x2710  }
0xea: {  	[sflag:s26] =	ssyncset.done $0x0  }
0xeb: {  	[sflag:s26] =	ssyncadd.s32 $0xFFFFD8F0  }
0xec: {  	_ =	swait.ge [sflag:s26], $0x2710  }
0xed: {  	[sflag:s26] =	ssyncset.done $0x0  }
0xee: {  	s17 =	simm.s32 $0x13F80;
	[sflag:s26] =	ssyncadd.s32 $0xFFFFD8F0  }
0xef: {  	v1 =	vld [tilespmem:s17+$0x0]  }
0xf0: {  	v2 =	vld [tilespmem:s17+$0xFFFFFFA0]  }
0xf1: {  	v3 =	vld [tilespmem:s17+$0xFFFFFFB0]  }
0xf2: {  	v4 =	vld [tilespmem:s17+$0xFFFFFFC0]  }
0xf3: {  	v5 =	vld [tilespmem:s17+$0xFFFFFFD0]  }
0xf4: {  	v7 =	vld [tilespmem:s17+$0xFFFFFFE0]  }
0xf5: {  	v9 =	vld [tilespmem:s17+$0xFFFFFF90]  }
0xf6: {  	s31 =	simm.s32 $0x18DA0;
	v10 =	vld [tilespmem:s17+$0xFFFFFFF0];
	v6 =	vand.u32 $0x3FFF, v1  }
0xf7: {  	v18 =	vld [tilespmem:s31+$0x0]  }
0xf8: {  	v53 =	vld [tilespmem:s31+$0xFFFFFF90]  }
0xf9: {  	v54 =	vld [tilespmem:s31+$0xFFFFFFA0]  }
0xfa: {  	v27 =	vld [tilespmem:s31+$0xFFFFFFB0]  }
0xfb: {  	v8 =	vand.u32 $0x3FFF, v2;
	v14 =	vld.idx.msk [tilespmem:v6+s3+$0x0], $0xffff  }
0xfc: {  	v28 =	vld [tilespmem:s31+$0xFFFFFFC0];
	v12 =	vand.u32 $0x3FFF, v4  }
0xfd: {  	v30 =	vld [tilespmem:s31+$0xFFFFFFD0];
	v17 =	vand.u32 $0x3FFF, v9  }
0xfe: {  	v31 =	vld [tilespmem:s31+$0xFFFFFFE0];
	v1 =	vshra.s32 v1, $0xE  }
0xff: {  	v34 =	vld [tilespmem:s31+$0xFFFFFFF0]  }
0x100: {  	v16 =	vld.idx.msk [tilespmem:v8+s3+$0x0], $0xffff;
	v24 =	vshll.u32 v14, $0x10  }
0x101: {  	v11 =	vand.u32 $0x3FFF, v3;
	v21 =	vld.idx.msk [tilespmem:v12+s3+$0x0], $0xffff;
	v14 =	vand.u32 $0xFFFF0000, v14;
	v24 =	vmul.f32 v24, v18  }
0x102: {  	v13 =	vand.u32 $0x3FFF, v5;
	v25 =	vld.idx.msk [tilespmem:v17+s3+$0x0], $0xffff;
	v14 =	vmul.f32 v14, v18  }
0x103: {  	v15 =	vand.u32 $0x3FFF, v7;
	[tilespmem:v1+s22+$0x0] =	vst.idx.add.f32.msk $0xffff, v24  }
0x104: {  	v19 =	vand.u32 $0x3FFF, v10;
	[tilespmem:v1+s23+$0x0] =	vst.idx.add.f32.msk $0xffff, v14  }
0x105: {  	v9 =	vshra.s32 v9, $0xE;
	v6 =	vld.idx.msk [tilespmem:v6+s16+$0x0], $0xffff  }
0x106: {  	v33 =	vshra.s32 v2, $0xE;
	v20 =	vld.idx.msk [tilespmem:v11+s3+$0x0], $0xffff  }
0x107: {  	v4 =	vshra.s32 v4, $0xE;
	v22 =	vld.idx.msk [tilespmem:v13+s3+$0x0], $0xffff;
	v29 =	vshll.u32 v25, $0x10  }
0x108: {  	v23 =	vld.idx.msk [tilespmem:v15+s3+$0x0], $0xffff;
	v55 =	vshll.u32 v16, $0x10;
	v29 =	vmul.f32 v29, v53  }
0x109: {  	v57 =	vshra.s32 v5, $0xE;
	v26 =	vld.idx.msk [tilespmem:v19+s3+$0x0], $0xffff;
	v5 =	vshll.u32 v21, $0x10;
	v56 =	vmul.f32 v55, v54  }
0x10a: {  	v5 =	vmul.f32 v5, v28;
	[tilespmem:v9+s22+$0x0] =	vst.idx.add.f32.msk $0xffff, v29;
	v32 =	vshll.u32 v6, $0x10  }
0x10b: {  	[tilespmem:v33+s22+$0x0] =	vst.idx.add.f32.msk $0xffff, v56;
	v2 =	vand.u32 $0xFFFF0000, v6;
	v6 =	vmul.f32 v32, v18  }
0x10c: {  	v3 =	vshra.s32 v3, $0xE;
	v25 =	vand.u32 $0xFFFF0000, v25;
	[tilespmem:v4+s22+$0x0] =	vst.idx.add.f32.msk $0xffff, v5;
	v2 =	vmul.f32 v2, v18  }
0x10d: {  	v25 =	vmul.f32 v25, v53;
	[tilespmem:v1+s24+$0x0] =	vst.idx.add.f32.msk $0xffff, v6;
	v6 =	vand.u32 $0xFFFF0000, v16  }
0x10e: {  	[tilespmem:v1+s25+$0x0] =	vst.idx.add.f32.msk $0xffff, v2;
	v1 =	vshll.u32 v20, $0x10;
	v2 =	vmul.f32 v6, v54  }
0x10f: {  	[tilespmem:v9+s23+$0x0] =	vst.idx.add.f32.msk $0xffff, v25;
	v6 =	vand.u32 $0xFFFF0000, v20;
	v1 =	vmul.f32 v1, v27  }
0x110: {  	v6 =	vmul.f32 v6, v27;
	[tilespmem:v33+s23+$0x0] =	vst.idx.add.f32.msk $0xffff, v2;
	v2 =	vand.u32 $0xFFFF0000, v21  }
0x111: {  	[tilespmem:v3+s22+$0x0] =	vst.idx.add.f32.msk $0xffff, v1;
	v1 =	vshra.s32 v7, $0xE;
	v7 =	vshll.u32 v22, $0x10;
	v58 =	vmul.f32 v2, v28  }
0x112: {  	[tilespmem:v3+s23+$0x0] =	vst.idx.add.f32.msk $0xffff, v6;
	v6 =	vand.u32 $0xFFFF0000, v22;
	v7 =	vmul.f32 v7, v30  }
0x113: {  	v2 =	vshra.s32 v10, $0xE;
	v6 =	vmul.f32 v6, v30;
	[tilespmem:v4+s23+$0x0] =	vst.idx.add.f32.msk $0xffff, v58  }
0x114: {  	v5 =	vshll.u32 v23, $0x10;
	[tilespmem:v57+s22+$0x0] =	vst.idx.add.f32.msk $0xffff, v7  }
0x115: {  	v5 =	vmul.f32 v5, v31;
	v7 =	vshll.u32 v26, $0x10;
	[tilespmem:v57+s23+$0x0] =	vst.idx.add.f32.msk $0xffff, v6  }
0x116: {  	v6 =	vmul.f32 v7, v34;
	v7 =	vld.idx.msk [tilespmem:v11+s16+$0x0], $0xffff  }
0x117: {  	[tilespmem:v1+s22+$0x0] =	vst.idx.add.f32.msk $0xffff, v5;
	v5 =	vand.u32 $0xFFFF0000, v26  }
0x118: {  	v5 =	vmul.f32 v5, v34;
	[tilespmem:v2+s22+$0x0] =	vst.idx.add.f32.msk $0xffff, v6  }
0x119: {  	v10 =	vand.u32 $0xFFFF0000, v23;
	v6 =	vld.idx.msk [tilespmem:v17+s16+$0x0], $0xffff  }
0x11a: {  	v10 =	vmul.f32 v10, v31;
	[tilespmem:v2+s23+$0x0] =	vst.idx.add.f32.msk $0xffff, v5  }
0x11b: {  	v5 =	vld.idx.msk [tilespmem:v8+s16+$0x0], $0xffff  }
0x11c: {  	[tilespmem:v1+s23+$0x0] =	vst.idx.add.f32.msk $0xffff, v10  }
0x11d: {  	v10 =	vld.idx.msk [tilespmem:v13+s16+$0x0], $0xffff  }
0x11e: {  	v59 =	vld.idx.msk [tilespmem:v15+s16+$0x0], $0xffff;
	v11 =	vshll.u32 v6, $0x10  }
0x11f: {  	v8 =	vld.idx.msk [tilespmem:v12+s16+$0x0], $0xffff;
	v6 =	vand.u32 $0xFFFF0000, v6;
	v11 =	vmul.f32 v11, v53  }
0x120: {  	v60 =	vld.idx.msk [tilespmem:v19+s16+$0x0], $0xffff;
	v6 =	vmul.f32 v6, v53;
	v61 =	vshll.u32 v5, $0x10  }
0x121: {  	v5 =	vand.u32 $0xFFFF0000, v5;
	[tilespmem:v9+s24+$0x0] =	vst.idx.add.f32.msk $0xffff, v11;
	v11 =	vmul.f32 v61, v54  }
0x122: {  	v62 =	vshll.u32 v7, $0x10;
	v5 =	vmul.f32 v5, v54;
	[tilespmem:v9+s25+$0x0] =	vst.idx.add.f32.msk $0xffff, v6  }
0x123: {  	v6 =	vand.u32 $0xFFFF0000, v7;
	v7 =	vmul.f32 v62, v27;
	[tilespmem:v33+s24+$0x0] =	vst.idx.add.f32.msk $0xffff, v11  }
0x124: {  	v9 =	vshll.u32 v8, $0x10;
	[tilespmem:v33+s25+$0x0] =	vst.idx.add.f32.msk $0xffff, v5;
	v5 =	vmul.f32 v6, v27  }
0x125: {  	v6 =	vand.u32 $0xFFFF0000, v8;
	[tilespmem:v3+s24+$0x0] =	vst.idx.add.f32.msk $0xffff, v7;
	v7 =	vmul.f32 v9, v28  }
0x126: {  	v8 =	vshll.u32 v10, $0x10;
	v6 =	vmul.f32 v6, v28;
	[tilespmem:v3+s25+$0x0] =	vst.idx.add.f32.msk $0xffff, v5  }
0x127: {  	v11 =	vshll.u32 v60, $0x10;
	v8 =	vmul.f32 v8, v30;
	v3 =	vand.u32 $0xFFFF0000, v10;
	[tilespmem:v4+s24+$0x0] =	vst.idx.add.f32.msk $0xffff, v7  }
0x128: {  	v5 =	vshll.u32 v59, $0x10;
	v7 =	vand.u32 $0xFFFF0000, v59;
	v63 =	vmul.f32 v3, v30;
	[tilespmem:v4+s25+$0x0] =	vst.idx.add.f32.msk $0xffff, v6  }
0x129: {  	v3 =	vand.u32 $0xFFFF0000, v60;
	v10 =	vmul.f32 v5, v31;
	v9 =	vmul.f32 v7, v31;
	[tilespmem:v57+s24+$0x0] =	vst.idx.add.f32.msk $0xffff, v8  }
0x12a: {  	s30 =	sadd.s32 $0x1, s30;
	s0 =	simm.s32 $0x0;
	s1 =	simm.s32 $0x14000;
	v5 =	vmul.f32 v11, v34;
	v3 =	vmul.f32 v3, v34;
	[tilespmem:v57+s25+$0x0] =	vst.idx.add.f32.msk $0xffff, v63  }
.LBB2_7:
0x12b: {  	v12 =	vld [tilespmem:s1+$0x0]  }
0x12c: {  	v4 =	vld [tilespmem:s1+$0xFFFFFFA0]  }
0x12d: {  	s0 =	sadd.s32 $0x80, s0;
	v6 =	vld [tilespmem:s1+$0xFFFFFFB0]  }
0x12e: {  	p0 =	slt.u32 s0, $0x2680;
	v13 =	vld [tilespmem:s1+$0xFFFFFFC0]  }
0x12f: {  	v14 =	vld [tilespmem:s1+$0xFFFFFFD0]  }
0x130: {  	v15 =	vld [tilespmem:s1+$0xFFFFFFE0];
	v16 =	vand.u32 $0x3FFF, v12  }
0x131: {  	v8 =	vshra.s32 v4, $0xE;
	v11 =	vand.u32 $0x3FFF, v4;
	v17 =	vld [tilespmem:s1+$0xFFFFFFF0]  }
0x132: {  	v18 =	vld [tilespmem:s1+$0xFFFFFF90];
	v7 =	vshra.s32 v6, $0xE;
	v19 =	vand.u32 $0x3FFF, v6  }
0x133: {  	v6 =	vshra.s32 v13, $0xE;
	v13 =	vand.u32 $0x3FFF, v13;
	[tilespmem:v1+s24+$0x0] =	vst.idx.add.f32.msk $0xffff, v10  }
0x134: {  	v4 =	vshra.s32 v14, $0xE;
	v14 =	vand.u32 $0x3FFF, v14;
	[tilespmem:v1+s25+$0x0] =	vst.idx.add.f32.msk $0xffff, v9  }
0x135: {  	v1 =	vshra.s32 v15, $0xE;
	v15 =	vand.u32 $0x3FFF, v15;
	v20 =	vld.idx.msk [tilespmem:v16+s3+$0x0], $0xffff  }
0x136: {  	s31 =	sadd.s32 $0x80, s31;
	v21 =	vld.idx.msk [tilespmem:v11+s3+$0x0], $0xffff;
	v10 =	vshra.s32 v17, $0xE;
	v17 =	vand.u32 $0x3FFF, v17  }
0x137: {  	v9 =	vshra.s32 v18, $0xE;
	v18 =	vand.u32 $0x3FFF, v18;
	v22 =	vld [tilespmem:s31+$0x0]  }
0x138: {  	v23 =	vld.idx.msk [tilespmem:v19+s3+$0x0], $0xffff  }
0x139: {  	v12 =	vshra.s32 v12, $0xE;
	v24 =	vld.idx.msk [tilespmem:v13+s3+$0x0], $0xffff  }
0x13a: {  	v25 =	vld.idx.msk [tilespmem:v14+s3+$0x0], $0xffff  }
0x13b: {  	v27 =	vshll.u32 v20, $0x10;
	v26 =	vld.idx.msk [tilespmem:v15+s3+$0x0], $0xffff  }
0x13c: {  	v20 =	vand.u32 $0xFFFF0000, v20;
	v29 =	vshll.u32 v21, $0x10;
	v28 =	vld.idx.msk [tilespmem:v18+s3+$0x0], $0xffff;
	v27 =	vmul.f32 v27, v22  }
0x13d: {  	v21 =	vand.u32 $0xFFFF0000, v21;
	v20 =	vmul.f32 v20, v22;
	v30 =	vld.idx.msk [tilespmem:v17+s3+$0x0], $0xffff  }
0x13e: {  	v31 =	vshll.u32 v23, $0x10;
	v23 =	vand.u32 $0xFFFF0000, v23;
	[tilespmem:v12+s22+$0x0] =	vst.idx.add.f32.msk $0xffff, v27  }
0x13f: {  	v27 =	vshll.u32 v24, $0x10;
	v24 =	vand.u32 $0xFFFF0000, v24;
	[tilespmem:v12+s23+$0x0] =	vst.idx.add.f32.msk $0xffff, v20  }
0x140: {  	v20 =	vshll.u32 v25, $0x10;
	v25 =	vand.u32 $0xFFFF0000, v25;
	v16 =	vld.idx.msk [tilespmem:v16+s16+$0x0], $0xffff  }
0x141: {  	v33 =	vshll.u32 v26, $0x10;
	v26 =	vand.u32 $0xFFFF0000, v26;
	v32 =	vld [tilespmem:s31+$0xFFFFFF90]  }
0x142: {  	v34 =	vshll.u32 v28, $0x10;
	v28 =	vand.u32 $0xFFFF0000, v28;
	v35 =	vld [tilespmem:s31+$0xFFFFFFA0]  }
0x143: {  	v37 =	vshll.u32 v30, $0x10;
	v30 =	vand.u32 $0xFFFF0000, v30;
	v36 =	vld [tilespmem:s31+$0xFFFFFFB0]  }
0x144: {  	v38 =	vld [tilespmem:s31+$0xFFFFFFC0]  }
0x145: {  	v39 =	vld [tilespmem:s31+$0xFFFFFFD0]  }
0x146: {  	v41 =	vshll.u32 v16, $0x10;
	v34 =	vmul.f32 v34, v32;
	v28 =	vmul.f32 v28, v32;
	v40 =	vld [tilespmem:s31+$0xFFFFFFE0]  }
0x147: {  	v16 =	vand.u32 $0xFFFF0000, v16;
	v41 =	vmul.f32 v41, v22;
	v29 =	vmul.f32 v29, v35;
	v42 =	vld [tilespmem:s31+$0xFFFFFFF0]  }
0x148: {  	v16 =	vmul.f32 v16, v22;
	v21 =	vmul.f32 v21, v35;
	[tilespmem:v9+s22+$0x0] =	vst.idx.add.f32.msk $0xffff, v34  }
0x149: {  	v22 =	vmul.f32 v31, v36;
	v23 =	vmul.f32 v23, v36;
	[tilespmem:v12+s24+$0x0] =	vst.idx.add.f32.msk $0xffff, v41  }
0x14a: {  	v27 =	vmul.f32 v27, v38;
	v24 =	vmul.f32 v24, v38;
	[tilespmem:v12+s25+$0x0] =	vst.idx.add.f32.msk $0xffff, v16  }
0x14b: {  	v12 =	vmul.f32 v20, v39;
	v16 =	vmul.f32 v25, v39;
	[tilespmem:v9+s23+$0x0] =	vst.idx.add.f32.msk $0xffff, v28  }
0x14c: {  	v20 =	vmul.f32 v33, v40;
	v25 =	vmul.f32 v26, v40;
	[tilespmem:v8+s22+$0x0] =	vst.idx.add.f32.msk $0xffff, v29  }
0x14d: {  	v26 =	vmul.f32 v30, v42;
	[tilespmem:v8+s23+$0x0] =	vst.idx.add.f32.msk $0xffff, v21;
	v21 =	vmul.f32 v37, v42  }
0x14e: {  	[tilespmem:v7+s22+$0x0] =	vst.idx.add.f32.msk $0xffff, v22  }
0x14f: {  	[tilespmem:v7+s23+$0x0] =	vst.idx.add.f32.msk $0xffff, v23  }
0x150: {  	[tilespmem:v6+s22+$0x0] =	vst.idx.add.f32.msk $0xffff, v27  }
0x151: {  	[tilespmem:v6+s23+$0x0] =	vst.idx.add.f32.msk $0xffff, v24  }
0x152: {  	[tilespmem:v4+s22+$0x0] =	vst.idx.add.f32.msk $0xffff, v12  }
0x153: {  	[tilespmem:v4+s23+$0x0] =	vst.idx.add.f32.msk $0xffff, v16  }
0x154: {  	[tilespmem:v1+s22+$0x0] =	vst.idx.add.f32.msk $0xffff, v20  }
0x155: {  	[tilespmem:v1+s23+$0x0] =	vst.idx.add.f32.msk $0xffff, v25  }
0x156: {  	[tilespmem:v10+s22+$0x0] =	vst.idx.add.f32.msk $0xffff, v21  }
0x157: {  	[tilespmem:v10+s23+$0x0] =	vst.idx.add.f32.msk $0xffff, v26  }
0x158: {  	v12 =	vld.idx.msk [tilespmem:v18+s16+$0x0], $0xffff  }
0x159: {  	v11 =	vld.idx.msk [tilespmem:v11+s16+$0x0], $0xffff  }
0x15a: {  	v16 =	vld.idx.msk [tilespmem:v19+s16+$0x0], $0xffff  }
0x15b: {  	v13 =	vld.idx.msk [tilespmem:v13+s16+$0x0], $0xffff  }
0x15c: {  	v14 =	vld.idx.msk [tilespmem:v14+s16+$0x0], $0xffff  }
0x15d: {  	v15 =	vld.idx.msk [tilespmem:v15+s16+$0x0], $0xffff  }
0x15e: {  	v18 =	vshll.u32 v12, $0x10;
	v12 =	vand.u32 $0xFFFF0000, v12;
	v17 =	vld.idx.msk [tilespmem:v17+s16+$0x0], $0xffff  }
0x15f: {  	v18 =	vmul.f32 v18, v32;
	v19 =	vshll.u32 v11, $0x10;
	v11 =	vand.u32 $0xFFFF0000, v11;
	[tilespmem:v2+s24+$0x0] =	vst.idx.add.f32.msk $0xffff, v5  }
0x160: {  	v5 =	vmul.f32 v12, v32;
	v12 =	vshll.u32 v16, $0x10;
	v16 =	vand.u32 $0xFFFF0000, v16;
	[tilespmem:v2+s25+$0x0] =	vst.idx.add.f32.msk $0xffff, v3;
	v2 =	vmovc v10  }
0x161: {  	v3 =	vmul.f32 v19, v35;
	v10 =	vshll.u32 v13, $0x10;
	v13 =	vand.u32 $0xFFFF0000, v13;
	[tilespmem:v9+s24+$0x0] =	vst.idx.add.f32.msk $0xffff, v18  }
0x162: {  	[tilespmem:v9+s25+$0x0] =	vst.idx.add.f32.msk $0xffff, v5;
	v5 =	vmul.f32 v11, v35;
	v9 =	vshll.u32 v14, $0x10;
	v11 =	vand.u32 $0xFFFF0000, v14  }
0x163: {  	v14 =	vand.u32 $0xFFFF0000, v15;
	[tilespmem:v8+s24+$0x0] =	vst.idx.add.f32.msk $0xffff, v3;
	v3 =	vmul.f32 v12, v36;
	v12 =	vshll.u32 v15, $0x10  }
0x164: {  	v15 =	vand.u32 $0xFFFF0000, v17;
	[tilespmem:v8+s25+$0x0] =	vst.idx.add.f32.msk $0xffff, v5;
	v5 =	vmul.f32 v16, v36;
	v8 =	vshll.u32 v17, $0x10  }
0x165: {  	v13 =	vmul.f32 v13, v38;
	[tilespmem:v7+s24+$0x0] =	vst.idx.add.f32.msk $0xffff, v3;
	v3 =	vmul.f32 v10, v38  }
.Ltmp2:
0x166: {  	v11 =	vmul.f32 v11, v39;
	[tilespmem:v7+s25+$0x0] =	vst.idx.add.f32.msk $0xffff, v5;
	v7 =	vmul.f32 v9, v39;
	(pc) =	sbr.rel @p0 .LBB2_7-.Ltmp2, $4  }
0x167: {  	v10 =	vmul.f32 v12, v40;
	v9 =	vmul.f32 v14, v40;
	[tilespmem:v6+s24+$0x0] =	vst.idx.add.f32.msk $0xffff, v3  }
0x168: {  	v5 =	vmul.f32 v8, v42;
	v3 =	vmul.f32 v15, v42;
	[tilespmem:v6+s25+$0x0] =	vst.idx.add.f32.msk $0xffff, v13  }
0x169: {  	[tilespmem:v4+s24+$0x0] =	vst.idx.add.f32.msk $0xffff, v7  }
0x16a: {  	s1 =	sadd.s32 $0x80, s1;
	[tilespmem:v4+s25+$0x0] =	vst.idx.add.f32.msk $0xffff, v11  }
0x16b: {  	_ =	sdelay $0x3  }
0x16c: {  	[tilespmem:v1+s24+$0x0] =	vst.idx.add.f32.msk $0xffff, v10  }
0x16d: {  	[tilespmem:v2+s24+$0x0] =	vst.idx.add.f32.msk $0xffff, v5  }
0x16e: {  	[tilespmem:v1+s25+$0x0] =	vst.idx.add.f32.msk $0xffff, v9  }
0x16f: {  	[tilespmem:v2+s25+$0x0] =	vst.idx.add.f32.msk $0xffff, v3  }
0x170: {  	v1 =	vld [tilespmem:$0x16610];
	_ =	sdelay $0x4  }
0x171: {  	v2 =	vand.u32 $0x3FFF, v1;
	_ =	sdelay $0x4  }
0x172: {  	v3 =	vld.idx.msk [tilespmem:v2+s3+$0x0], $0xffff  }
0x173: {  	v4 =	vld [tilespmem:$0x1B430];
	_ =	sdelay $0x1  }
0x174: {  	v1 =	vshra.s32 v1, $0xE;
	_ =	sdelay $0x1  }
0x175: {  	v63 =	vshll.u32 v3, $0x10  }
0x176: {  	v3 =	vand.u32 $0xFFFF0000, v3;
	v5 =	vmul.f32 v63, v4  }
0x177: {  	v3 =	vmul.f32 v3, v4  }
0x178: {  	[tilespmem:v1+s22+$0x0] =	vst.idx.add.f32.msk $0xffff, v5  }
0x179: {  	[tilespmem:v1+s23+$0x0] =	vst.idx.add.f32.msk $0xffff, v3  }
0x17a: {  	v2 =	vld.idx.msk [tilespmem:v2+s16+$0x0], $0xffff;
	_ =	sdelay $0x3  }
0x17b: {  	p0 =	sne.s32 s30, $0x10  }
.Ltmp3:
0x17c: {  	v3 =	vshll.u32 v2, $0x10;
	(pc) =	sbr.rel @p0 .LBB2_4-.Ltmp3, $4  }
0x17d: {  	v2 =	vand.u32 $0xFFFF0000, v2;
	v3 =	vmul.f32 v3, v4  }
0x17e: {  	v2 =	vmul.f32 v2, v4  }
0x17f: {  	[tilespmem:v1+s24+$0x0] =	vst.idx.add.f32.msk $0xffff, v3  }
0x180: {  	[tilespmem:v1+s25+$0x0] =	vst.idx.add.f32.msk $0xffff, v2  }
0x181: {  	s0 =	rddreg [dreg:$0x6]  }
0x182: {  	[tilespmem:s7], [sflag:$0x1] =	stream.linear.gather [hbm4b:s0+s3], $0x2710, $0x38;
	[tilespmem:$0x1B440] =	vst v63  }
0x183: {  	_ = 	snop  }
0x184: {  	[tilespmem:s18], [sflag:$0x2] =	stream.linear.gather [hbm4b:s8+s3], $0x2710, $0x38;
	[tilespmem:$0x1B440] =	vst v63  }
0x185: {  	_ =	swait.ge [sflag:s21], $0x2710  }
0x186: {  	[sflag:s21] =	ssyncset.done $0x0  }
0x187: {  	[sflag:s21] =	ssyncadd.s32 $0xFFFFD8F0  }
0x188: {  	_ =	swait.ge [sflag:s26], $0x2710  }
0x189: {  	[sflag:s26] =	ssyncset.done $0x0  }
0x18a: {  	s1 =	simm.s32 $0x11840;
	[sflag:s26] =	ssyncadd.s32 $0xFFFFD8F0  }
0x18b: {  	v1 =	vld [tilespmem:s1+$0x30]  }
0x18c: {  	v2 =	vld [tilespmem:s1+$0xFFFFFFD0]  }
0x18d: {  	v3 =	vld [tilespmem:s1+$0xFFFFFFE0]  }
0x18e: {  	v4 =	vld [tilespmem:s1+$0xFFFFFFF0]  }
0x18f: {  	s0 =	simm.s32 $0x16660;
	v5 =	vld [tilespmem:s1+$0x0]  }
0x190: {  	v6 =	vld [tilespmem:s0+$0x30]  }
0x191: {  	v7 =	vld [tilespmem:s1+$0x10]  }
0x192: {  	v9 =	vld [tilespmem:s1+$0xFFFFFFC0];
	v1 =	vshra.s32 v1, $0xE  }
0x193: {  	v8 =	vld [tilespmem:s1+$0x20]  }
0x194: {  	v10 =	vld [tilespmem:s0+$0xFFFFFFC0]  }
0x195: {  	v63 =	vld [tilespmem:s0+$0xFFFFFFE0]  }
0x196: {  	v11 =	vld [tilespmem:s0+$0xFFFFFFF0]  }
0x197: {  	v9 =	vshra.s32 v9, $0xE;
	[tilespmem:v1+s28+$0x0] =	vst.idx.add.f32.msk $0xffff, v6  }
0x198: {  	v2 =	vshra.s32 v2, $0xE;
	v1 =	vld [tilespmem:s0+$0xFFFFFFD0]  }
0x199: {  	v12 =	vld [tilespmem:s0+$0x0];
	v3 =	vshra.s32 v3, $0xE  }
0x19a: {  	v13 =	vld [tilespmem:s0+$0x10];
	v4 =	vshra.s32 v4, $0xE  }
0x19b: {  	v14 =	vld [tilespmem:s0+$0x20];
	v5 =	vshra.s32 v5, $0xE  }
0x19c: {  	v7 =	vshra.s32 v7, $0xE;
	[tilespmem:v9+s28+$0x0] =	vst.idx.add.f32.msk $0xffff, v10  }
0x19d: {  	[tilespmem:v2+s28+$0x0] =	vst.idx.add.f32.msk $0xffff, v1;
	v1 =	vshra.s32 v8, $0xE  }
0x19e: {  	[tilespmem:v3+s28+$0x0] =	vst.idx.add.f32.msk $0xffff, v63  }
0x19f: {  	[tilespmem:v4+s28+$0x0] =	vst.idx.add.f32.msk $0xffff, v11  }
0x1a0: {  	[tilespmem:v5+s28+$0x0] =	vst.idx.add.f32.msk $0xffff, v12  }
0x1a1: {  	[tilespmem:v7+s28+$0x0] =	vst.idx.add.f32.msk $0xffff, v13  }
0x1a2: {  	s17 =	simm.s32 $0x118C0;
	s1 =	simm.s32 $0x0;
	[tilespmem:v1+s28+$0x0] =	vst.idx.add.f32.msk $0xffff, v14  }
.LBB2_10:
0x1a3: {  	v1 =	vld [tilespmem:s17+$0x30];
	s1 =	sadd.s32 $0x80, s1  }
0x1a4: {  	v2 =	vld [tilespmem:s17+$0xFFFFFFD0];
	p0 =	slt.u32 s1, $0x2680  }
0x1a5: {  	v3 =	vld [tilespmem:s17+$0xFFFFFFE0]  }
0x1a6: {  	v4 =	vld [tilespmem:s17+$0xFFFFFFF0]  }
0x1a7: {  	s0 =	sadd.s32 $0x80, s0;
	v5 =	vld [tilespmem:s17+$0x0]  }
0x1a8: {  	v1 =	vshra.s32 v1, $0xE;
	v6 =	vld [tilespmem:s0+$0x30]  }
0x1a9: {  	v2 =	vshra.s32 v2, $0xE;
	v7 =	vld [tilespmem:s17+$0x10]  }
0x1aa: {  	v3 =	vshra.s32 v3, $0xE;
	v8 =	vld [tilespmem:s17+$0x20]  }
0x1ab: {  	v9 =	vld [tilespmem:s17+$0xFFFFFFC0];
	v4 =	vshra.s32 v4, $0xE  }
0x1ac: {  	v10 =	vld [tilespmem:s0+$0xFFFFFFC0];
	v5 =	vshra.s32 v5, $0xE  }
0x1ad: {  	[tilespmem:v1+s28+$0x0] =	vst.idx.add.f32.msk $0xffff, v6  }
0x1ae: {  	v1 =	vld [tilespmem:s0+$0xFFFFFFD0];
	v6 =	vshra.s32 v7, $0xE  }
0x1af: {  	v7 =	vld [tilespmem:s0+$0xFFFFFFE0];
	v8 =	vshra.s32 v8, $0xE  }
0x1b0: {  	v9 =	vshra.s32 v9, $0xE;
	v11 =	vld [tilespmem:s0+$0xFFFFFFF0]  }
0x1b1: {  	v12 =	vld [tilespmem:s0+$0x0]  }
0x1b2: {  	v13 =	vld [tilespmem:s0+$0x10]  }
0x1b3: {  	v14 =	vld [tilespmem:s0+$0x20]  }
0x1b4: {  	[tilespmem:v2+s28+$0x0] =	vst.idx.add.f32.msk $0xffff, v1  }
0x1b5: {  	[tilespmem:v9+s28+$0x0] =	vst.idx.add.f32.msk $0xffff, v10  }
.Ltmp4:
0x1b6: {  	[tilespmem:v3+s28+$0x0] =	vst.idx.add.f32.msk $0xffff, v7;
	(pc) =	sbr.rel @p0 .LBB2_10-.Ltmp4, $4  }
0x1b7: {  	[tilespmem:v4+s28+$0x0] =	vst.idx.add.f32.msk $0xffff, v11  }
0x1b8: {  	[tilespmem:v5+s28+$0x0] =	vst.idx.add.f32.msk $0xffff, v12  }
0x1b9: {  	[tilespmem:v6+s28+$0x0] =	vst.idx.add.f32.msk $0xffff, v13  }
0x1ba: {  	s17 =	sadd.s32 $0x80, s17;
	[tilespmem:v8+s28+$0x0] =	vst.idx.add.f32.msk $0xffff, v14  }
0x1bb: {  	v1 =	vld [tilespmem:$0x13F00];
	_ =	sdelay $0x4  }
0x1bc: {  	v2 =	vld [tilespmem:$0x18D20];
	v1 =	vshra.s32 v1, $0xE;
	_ =	sdelay $0x4  }
0x1bd: {  	[tilespmem:v1+s28+$0x0] =	vst.idx.add.f32.msk $0xffff, v2  }
0x1be: {  	[hbm4b:s9+s3] =	stream.linear.scatter [tilespmem:s22], [sflag:$0x1], $0x2800, $0x38;
	[tilespmem:$0x1B440] =	vst v63  }
0x1bf: {  	_ = 	snop  }
0x1c0: {  	[hbm4b:s10+s3] =	stream.linear.scatter [tilespmem:s23], [sflag:$0x1], $0x2800, $0x38;
	[tilespmem:$0x1B440] =	vst v63  }
0x1c1: {  	_ = 	snop  }
0x1c2: {  	[hbm4b:s11+s3] =	stream.linear.scatter [tilespmem:s24], [sflag:$0x1], $0x2800, $0x38;
	[tilespmem:$0x1B440] =	vst v63  }
0x1c3: {  	_ = 	snop  }
0x1c4: {  	[hbm4b:s12+s3] =	stream.linear.scatter [tilespmem:s25], [sflag:$0x1], $0x2800, $0x38;
	[tilespmem:$0x1B440] =	vst v63  }
0x1c5: {  	_ = 	snop  }
0x1c6: {  	[hbm4b:s13+s3] =	stream.linear.scatter [tilespmem:s28], [sflag:$0x1], $0x2800, $0x38;
	[tilespmem:$0x1B440] =	vst v63  }
0x1c7: {  	_ =	swait.ge [sflag:s21], $0x2800  }
0x1c8: {  	[sflag:s21] =	ssyncset.done $0x0  }
0x1c9: {  	[sflag:s21] =	ssyncadd.s32 $0xFFFFD800  }
0x1ca: {  	_ =	swait.ge [sflag:s21], $0x2800  }
0x1cb: {  	[sflag:s21] =	ssyncset.done $0x0  }
0x1cc: {  	[sflag:s21] =	ssyncadd.s32 $0xFFFFD800  }
0x1cd: {  	_ =	swait.ge [sflag:s21], $0x2800  }
0x1ce: {  	[sflag:s21] =	ssyncset.done $0x0  }
0x1cf: {  	s29 =	sadd.s32 $0x1, s29;
	[sflag:s21] =	ssyncadd.s32 $0xFFFFD800  }
0x1d0: {  	p0 =	sne.s32 s29, s14;
	_ =	swait.ge [sflag:s21], $0x2800  }
.Ltmp5:
0x1d1: {  	[sflag:s21] =	ssyncset.done $0x0;
	(pc) =	sbr.rel @p0 .LBB2_1-.Ltmp5, $4  }
0x1d2: {  	[sflag:s21] =	ssyncadd.s32 $0xFFFFD800  }
0x1d3: {  	_ =	swait.ge [sflag:s21], $0x2800  }
0x1d4: {  	[sflag:s21] =	ssyncset.done $0x0  }
0x1d5: {  	[sflag:s21] =	ssyncadd.s32 $0xFFFFD800  }
0x1d6: {  	_ =	sfence.sel $0x180000  }
0x1d7: {  	[bflag:$0x0] =	sbarrier.arrive $0xFFFF  }
0x1d8: {  	_ =	strace $0x9000004A  }
0x1d9: {  	s0 =	stileid.u32;
	[bflag:$0x2] =	sbarrier.arrive $0xFFFF  }
0x1da: {  	p0 =	sne.s32 s0, $0x0;
	s0 =	rddreg [dreg:$0x3]  }
0x1db: {  	s0 =	sadd.s32 @!p0 $0x100000, s0  }
0x1dc: {  	[sflag:s0] =	ssyncadd.tile.s32 @!p0 $0x1;
	_ =	shalt  }
.Lfunc_end2:
_tile_overlayer_lowered:
.L_overlay_start_2:
0x1dd: {  	(tag) =	ssettag $0x2  }
0x1de: {  	s0 =	rddreg [dreg:$0x0];
	s2 =	stileid.u32  }
0x1df: {  	s1 =	rddreg [dreg:$0x1];
	p0 =	sne.s32 s2, $0x0  }
0x1e0: {  	s3 =	rddreg [dreg:$0x2];
	[bflag:$0x3] =	sbarrier.arrive $0xFFFF;
	s2 =	simm.s32 @!p0 $0x1C03  }
0x1e1: {  	[timem:s3], [sflag:s2] =	dma.local @!p0 [hbm:s0], s1  }
0x1e2: {  	s0 =	simm.s32 @!p0 $0x3  }
0x1e3: {  	_ =	swait.ge @!p0 [sflag:s0], s1  }
0x1e4: {  	s1 =	ssub.s32 @!p0 $0x0, s1;
	[sflag:s0] =	ssyncset.done @!p0 $0x0  }
0x1e5: {  	[sflag:s0] =	ssyncadd.s32 @!p0 s1  }
0x1e6: {  	[bflag:$0x3] =	sbarrier.arrive $0xFFFF  }
0x1e7: {  	_ =	shalt  }

</sc_bundles>
